<compile_context>
chip_gen: v7x
topology: tpu7x:2x2x1
jax: 0.10.2.dev20260603
libtpu: 0.0.44.dev20260713+nightly
codegen_flags: <defaults>
</compile_context>

<pallas_src>
import functools

import jax
import jax.numpy as jnp
from jax import lax
from jax.experimental import pallas as pl
from jax.experimental.pallas import tpu as pltpu
from jax.experimental.pallas import tpu_sc as plsc

_HIDDEN = 128
_NC = 2
_NS = 16
_NW = _NC * _NS


def _make_kernel(batch, hist):
    assert batch % _NW == 0
    bpw = batch // _NW
    nbuf = 5
    assert hist % nbuf == 0 and hist > nbuf

    mesh = plsc.VectorSubcoreMesh(
        core_axis_name="c", subcore_axis_name="s",
        num_cores=_NC, num_subcores=_NS)

    @functools.partial(
        pl.kernel,
        out_type=jax.ShapeDtypeStruct((hist, batch, _HIDDEN), jnp.float32),
        mesh=mesh,
        scratch_types=[
            pltpu.VMEM((hist, bpw), jnp.int32),
            pltpu.VMEM((nbuf, bpw, _HIDDEN), jnp.float32),
            pltpu.VMEM_SHARED((1001, _HIDDEN), jnp.float32),
            [pltpu.SemaphoreType.DMA] * nbuf,
            [pltpu.SemaphoreType.DMA] * nbuf,
        ],
    )
    def emb(idx_hbm, tab_hbm, out_hbm, idx_v, rows_v, tab_sp, gsems,
            wsems):
        wid = lax.axis_index("s") * _NC + lax.axis_index("c")
        sid = lax.axis_index("s")
        @pl.when(sid == 0)
        def _():
            pltpu.sync_copy(tab_hbm, tab_sp)

        pltpu.sync_copy(idx_hbm.at[wid], idx_v)
        plsc.subcore_barrier()
        b_base = wid * bpw

        def gather(h, b):
            pltpu.async_copy(tab_sp.at[idx_v.at[h]], rows_v.at[b],
                             gsems[b])

        def wait_gather(h, b):
            pltpu.make_async_copy(tab_sp.at[idx_v.at[h]], rows_v.at[b],
                                  gsems[b]).wait()

        def write(h, b):
            pltpu.async_copy(rows_v.at[b],
                             out_hbm.at[h, pl.ds(b_base, bpw)], wsems[b])

        def wait_write(h, b):
            pltpu.make_async_copy(rows_v.at[b],
                                  out_hbm.at[h, pl.ds(b_base, bpw)],
                                  wsems[b]).wait()

        for b in range(nbuf):
            gather(b, b)

        @pl.loop(0, hist, step=nbuf)
        def _(c):
            for b in range(nbuf):
                h = c + b
                wait_gather(h, b)
                write(h, b)
                nxt = h + 1
                nb = (b + 1) % nbuf

                @pl.when(jnp.logical_and(nxt >= nbuf, nxt < hist))
                def _():
                    wait_write(nxt - nbuf, nb)
                    gather(nxt, nb)

        for b in range(nbuf):
            wait_write(hist - nbuf + b, b)

    return emb


def kernel(scale, scale_embeddings):
    batch, hist = scale.shape
    num_scales = scale_embeddings.shape[1] - 1
    idx = jnp.clip(scale, 0, num_scales - 1) + 1
    idx3 = idx.reshape(_NW, batch // _NW, hist).transpose(0, 2, 1)
    tab = scale_embeddings.reshape(num_scales + 1, _HIDDEN)
    emb = _make_kernel(batch, hist)
    out = emb(idx3, tab)
    return out.transpose(1, 0, 2)[None]

# --- scband reference (transcript-rebuilt; emitter-appended) ---
"""Pipeline reference for scband-scale-embedding-42236708388919 (READ-ONLY COPY).

The authoritative reference and input builder live on the scoring server;
editing this copy changes nothing except your own understanding.
"""

import jax, jax.numpy as jnp
import numpy as np

NUM_SCALES = 1000
HIDDEN = 128
BATCH = 4096
HIST = 50


def setup_inputs(seed: int = 0) -> dict:
    key = jax.random.key(seed)
    k1, k2 = jax.random.split(key)
    scale = jax.random.randint(k1, (BATCH, HIST), 0, NUM_SCALES, dtype=jnp.int32)
    scale_embeddings = jax.random.normal(k2, (1, NUM_SCALES + 1, HIDDEN), dtype=jnp.float32) * 0.02
    return {"scale": scale, "scale_embeddings": scale_embeddings}


def reference(scale, scale_embeddings):
    # scale = clamp(scale, 0, num_scales-1) + 1
    idx = jnp.clip(scale, 0, NUM_SCALES - 1) + 1
    idx = idx.astype(jnp.int32)
    # self.scale_embeddings[:, scale] -> advanced indexing along axis 1
    out = scale_embeddings[:, idx]
    return out

if __name__ == "__main__":
    import jax
    _d = setup_inputs()
    print(jax.jit(kernel)(*tuple(_d.values())))

</pallas_src>

<mosaic_0001>
#map = affine_map<(d0, d1) -> (0, 0, 0)>
#map1 = affine_map<(d0, d1) -> (0, 0)>
module attributes {stable_mosaic.version = 14 : i64} {
  func.func @emb(%arg0: i32, %arg1: i32, %arg2: memref<32x50x128xi32, #tpu.memory_space<hbm>>, %arg3: memref<1001x128xf32, #tpu.memory_space<hbm>>, %arg4: memref<50x4096x128xf32, #tpu.memory_space<hbm>>, %arg5: memref<50x128xi32, #tpu.memory_space<vmem>>, %arg6: memref<5x128x128xf32, #tpu.memory_space<vmem>>, %arg7: memref<1001x128xf32, #tpu.memory_space<vmem_shared>>, %arg8: memref<!tpu.dma_semaphore, #tpu.memory_space<semaphore_mem>>, %arg9: memref<!tpu.dma_semaphore, #tpu.memory_space<semaphore_mem>>, %arg10: memref<!tpu.dma_semaphore, #tpu.memory_space<semaphore_mem>>, %arg11: memref<!tpu.dma_semaphore, #tpu.memory_space<semaphore_mem>>, %arg12: memref<!tpu.dma_semaphore, #tpu.memory_space<semaphore_mem>>, %arg13: memref<!tpu.dma_semaphore, #tpu.memory_space<semaphore_mem>>, %arg14: memref<!tpu.dma_semaphore, #tpu.memory_space<semaphore_mem>>, %arg15: memref<!tpu.dma_semaphore, #tpu.memory_space<semaphore_mem>>, %arg16: memref<!tpu.dma_semaphore, #tpu.memory_space<semaphore_mem>>, %arg17: memref<!tpu.dma_semaphore, #tpu.memory_space<semaphore_mem>>) attributes {dimension_semantics = [#tpu.dimension_semantics<core_parallel>, #tpu.dimension_semantics<subcore_parallel>], iteration_bounds = array<i64: 2, 16>, scalar_prefetch = 0 : i64, scratch_operands = 13 : i64, tpu.core_type = #tpu.core_type<sc_vector_subcore>, window_params = [{transform_indices = #map}, {transform_indices = #map1}, {transform_indices = #map}]} {
    %mul3A = arith.constant 2 : i32
    %mul3A_0 = arith.muli %arg1, %mul3A : i32
    %add3A = arith.addi %mul3A_0, %arg0 : i32
    %eq3A = arith.constant 0 : i32
    %eq3A_1 = arith.cmpi eq, %arg1, %eq3A : i32
    %convert_element_type3A = arith.extui %eq3A_1 : i1 to i32
    %cond3A = arith.constant 0 : i32
    %cond3A_2 = arith.cmpi ne, %convert_element_type3A, %cond3A : i32
    scf.if %cond3A_2 {
      "tpu.region"() ({
        %run_scoped3A = tpu.sem_alloc : memref<!tpu.dma_semaphore, #tpu.memory_space<semaphore_mem>>
        tpu.enqueue_dma source(%arg3 : memref<1001x128xf32, #tpu.memory_space<hbm>>) target(%arg7 : memref<1001x128xf32, #tpu.memory_space<vmem_shared>>) target_semaphore(%run_scoped3A : memref<!tpu.dma_semaphore, #tpu.memory_space<semaphore_mem>>)
        tpu.wait_dma2 semaphore(%run_scoped3A : memref<!tpu.dma_semaphore, #tpu.memory_space<semaphore_mem>>) src(%arg3 : memref<1001x128xf32, #tpu.memory_space<hbm>>) dst(%arg7 : memref<1001x128xf32, #tpu.memory_space<vmem_shared>>)
        tpu.yield
      }) : () -> ()
    } else {
    }
    "tpu.region"() ({
      %run_scoped3A = tpu.sem_alloc : memref<!tpu.dma_semaphore, #tpu.memory_space<semaphore_mem>>
      %dma_start3A_147 = arith.constant 0 : i32
      %dma_start3A_148 = arith.constant 0 : i32
      %dma_start3A_149 = tpu.memref_slice %arg2[%add3A, %dma_start3A_147, %dma_start3A_148] : memref<32x50x128xi32, #tpu.memory_space<hbm>> -> memref<1x50x128xi32, #tpu.memory_space<hbm>>
      %dma_start3A_150 = tpu.memref_squeeze %dma_start3A_149 : memref<1x50x128xi32, #tpu.memory_space<hbm>> -> memref<50x128xi32, #tpu.memory_space<hbm>>
      %dma_start3A_151 = arith.constant 0 : i32
      %dma_start3A_152 = arith.constant 0 : i32
      %dma_start3A_153 = tpu.memref_slice %arg2[%add3A, %dma_start3A_151, %dma_start3A_152] : memref<32x50x128xi32, #tpu.memory_space<hbm>> -> memref<1x50x128xi32, #tpu.memory_space<hbm>>
      %dma_start3A_154 = tpu.memref_squeeze %dma_start3A_153 : memref<1x50x128xi32, #tpu.memory_space<hbm>> -> memref<50x128xi32, #tpu.memory_space<hbm>>
      tpu.enqueue_dma source(%dma_start3A_154 : memref<50x128xi32, #tpu.memory_space<hbm>>) target(%arg5 : memref<50x128xi32, #tpu.memory_space<vmem>>) target_semaphore(%run_scoped3A : memref<!tpu.dma_semaphore, #tpu.memory_space<semaphore_mem>>)
      %dma_wait3A_155 = arith.constant 0 : i32
      %dma_wait3A_156 = arith.constant 0 : i32
      %dma_wait3A_157 = tpu.memref_slice %arg2[%add3A, %dma_wait3A_155, %dma_wait3A_156] : memref<32x50x128xi32, #tpu.memory_space<hbm>> -> memref<1x50x128xi32, #tpu.memory_space<hbm>>
      %dma_wait3A_158 = tpu.memref_squeeze %dma_wait3A_157 : memref<1x50x128xi32, #tpu.memory_space<hbm>> -> memref<50x128xi32, #tpu.memory_space<hbm>>
      %dma_wait3A_159 = arith.constant 0 : i32
      %dma_wait3A_160 = arith.constant 0 : i32
      %dma_wait3A_161 = tpu.memref_slice %arg2[%add3A, %dma_wait3A_159, %dma_wait3A_160] : memref<32x50x128xi32, #tpu.memory_space<hbm>> -> memref<1x50x128xi32, #tpu.memory_space<hbm>>
      %dma_wait3A_162 = tpu.memref_squeeze %dma_wait3A_161 : memref<1x50x128xi32, #tpu.memory_space<hbm>> -> memref<50x128xi32, #tpu.memory_space<hbm>>
      tpu.wait_dma2 semaphore(%run_scoped3A : memref<!tpu.dma_semaphore, #tpu.memory_space<semaphore_mem>>) src(%dma_wait3A_162 : memref<50x128xi32, #tpu.memory_space<hbm>>) dst(%arg5 : memref<50x128xi32, #tpu.memory_space<vmem>>)
      tpu.yield
    }) : () -> ()
    %barrier3A = arith.constant 0 : index
    tpu.barrier barrier_id(%barrier3A)
    %mul3A_3 = arith.constant 128 : i32
    %mul3A_4 = arith.muli %add3A, %mul3A_3 : i32
    %dma_start3A = arith.constant 0 : i32
    %dma_start3A_5 = arith.constant 0 : i32
    %dma_start3A_6 = arith.constant 0 : i32
    %dma_start3A_7 = arith.constant 0 : i32
    %dma_start3A_8 = tpu.memref_slice %arg6[%dma_start3A_5, %dma_start3A_6, %dma_start3A_7] : memref<5x128x128xf32, #tpu.memory_space<vmem>> -> memref<1x128x128xf32, #tpu.memory_space<vmem>>
    %dma_start3A_9 = tpu.memref_squeeze %dma_start3A_8 : memref<1x128x128xf32, #tpu.memory_space<vmem>> -> memref<128x128xf32, #tpu.memory_space<vmem>>
    %dma_start3A_10 = arith.constant 0 : i32
    %dma_start3A_11 = tpu.memref_slice %arg5[%dma_start3A, %dma_start3A_10] : memref<50x128xi32, #tpu.memory_space<vmem>> -> memref<1x128xi32, #tpu.memory_space<vmem>>
    %dma_start3A_12 = tpu.memref_squeeze %dma_start3A_11 : memref<1x128xi32, #tpu.memory_space<vmem>> -> memref<128xi32, #tpu.memory_space<vmem>>
    %dma_start3A_13 = arith.constant 0 : i32
    %dma_start3A_14 = arith.constant 0 : i32
    %dma_start3A_15 = tpu.memref_slice %arg7[%dma_start3A_13, %dma_start3A_14] : memref<1001x128xf32, #tpu.memory_space<vmem_shared>> -> memref<1001x128xf32, #tpu.memory_space<vmem_shared>>
    tpu.enqueue_indirect_dma source(%dma_start3A_15 : memref<1001x128xf32, #tpu.memory_space<vmem_shared>>) target(%dma_start3A_9 : memref<128x128xf32, #tpu.memory_space<vmem>>) offsets(%dma_start3A_12 : memref<128xi32, #tpu.memory_space<vmem>>) semaphore(%arg8 : memref<!tpu.dma_semaphore, #tpu.memory_space<semaphore_mem>>)
    %dma_start3A_16 = arith.constant 1 : i32
    %dma_start3A_17 = arith.constant 1 : i32
    %dma_start3A_18 = arith.constant 0 : i32
    %dma_start3A_19 = arith.constant 0 : i32
    %dma_start3A_20 = tpu.memref_slice %arg6[%dma_start3A_17, %dma_start3A_18, %dma_start3A_19] : memref<5x128x128xf32, #tpu.memory_space<vmem>> -> memref<1x128x128xf32, #tpu.memory_space<vmem>>
    %dma_start3A_21 = tpu.memref_squeeze %dma_start3A_20 : memref<1x128x128xf32, #tpu.memory_space<vmem>> -> memref<128x128xf32, #tpu.memory_space<vmem>>
    %dma_start3A_22 = arith.constant 0 : i32
    %dma_start3A_23 = tpu.memref_slice %arg5[%dma_start3A_16, %dma_start3A_22] : memref<50x128xi32, #tpu.memory_space<vmem>> -> memref<1x128xi32, #tpu.memory_space<vmem>>
    %dma_start3A_24 = tpu.memref_squeeze %dma_start3A_23 : memref<1x128xi32, #tpu.memory_space<vmem>> -> memref<128xi32, #tpu.memory_space<vmem>>
    %dma_start3A_25 = arith.constant 0 : i32
    %dma_start3A_26 = arith.constant 0 : i32
    %dma_start3A_27 = tpu.memref_slice %arg7[%dma_start3A_25, %dma_start3A_26] : memref<1001x128xf32, #tpu.memory_space<vmem_shared>> -> memref<1001x128xf32, #tpu.memory_space<vmem_shared>>
    tpu.enqueue_indirect_dma source(%dma_start3A_27 : memref<1001x128xf32, #tpu.memory_space<vmem_shared>>) target(%dma_start3A_21 : memref<128x128xf32, #tpu.memory_space<vmem>>) offsets(%dma_start3A_24 : memref<128xi32, #tpu.memory_space<vmem>>) semaphore(%arg9 : memref<!tpu.dma_semaphore, #tpu.memory_space<semaphore_mem>>)
    %dma_start3A_28 = arith.constant 2 : i32
    %dma_start3A_29 = arith.constant 2 : i32
    %dma_start3A_30 = arith.constant 0 : i32
    %dma_start3A_31 = arith.constant 0 : i32
    %dma_start3A_32 = tpu.memref_slice %arg6[%dma_start3A_29, %dma_start3A_30, %dma_start3A_31] : memref<5x128x128xf32, #tpu.memory_space<vmem>> -> memref<1x128x128xf32, #tpu.memory_space<vmem>>
    %dma_start3A_33 = tpu.memref_squeeze %dma_start3A_32 : memref<1x128x128xf32, #tpu.memory_space<vmem>> -> memref<128x128xf32, #tpu.memory_space<vmem>>
    %dma_start3A_34 = arith.constant 0 : i32
    %dma_start3A_35 = tpu.memref_slice %arg5[%dma_start3A_28, %dma_start3A_34] : memref<50x128xi32, #tpu.memory_space<vmem>> -> memref<1x128xi32, #tpu.memory_space<vmem>>
    %dma_start3A_36 = tpu.memref_squeeze %dma_start3A_35 : memref<1x128xi32, #tpu.memory_space<vmem>> -> memref<128xi32, #tpu.memory_space<vmem>>
    %dma_start3A_37 = arith.constant 0 : i32
    %dma_start3A_38 = arith.constant 0 : i32
    %dma_start3A_39 = tpu.memref_slice %arg7[%dma_start3A_37, %dma_start3A_38] : memref<1001x128xf32, #tpu.memory_space<vmem_shared>> -> memref<1001x128xf32, #tpu.memory_space<vmem_shared>>
    tpu.enqueue_indirect_dma source(%dma_start3A_39 : memref<1001x128xf32, #tpu.memory_space<vmem_shared>>) target(%dma_start3A_33 : memref<128x128xf32, #tpu.memory_space<vmem>>) offsets(%dma_start3A_36 : memref<128xi32, #tpu.memory_space<vmem>>) semaphore(%arg10 : memref<!tpu.dma_semaphore, #tpu.memory_space<semaphore_mem>>)
    %dma_start3A_40 = arith.constant 3 : i32
    %dma_start3A_41 = arith.constant 3 : i32
    %dma_start3A_42 = arith.constant 0 : i32
    %dma_start3A_43 = arith.constant 0 : i32
    %dma_start3A_44 = tpu.memref_slice %arg6[%dma_start3A_41, %dma_start3A_42, %dma_start3A_43] : memref<5x128x128xf32, #tpu.memory_space<vmem>> -> memref<1x128x128xf32, #tpu.memory_space<vmem>>
    %dma_start3A_45 = tpu.memref_squeeze %dma_start3A_44 : memref<1x128x128xf32, #tpu.memory_space<vmem>> -> memref<128x128xf32, #tpu.memory_space<vmem>>
    %dma_start3A_46 = arith.constant 0 : i32
    %dma_start3A_47 = tpu.memref_slice %arg5[%dma_start3A_40, %dma_start3A_46] : memref<50x128xi32, #tpu.memory_space<vmem>> -> memref<1x128xi32, #tpu.memory_space<vmem>>
    %dma_start3A_48 = tpu.memref_squeeze %dma_start3A_47 : memref<1x128xi32, #tpu.memory_space<vmem>> -> memref<128xi32, #tpu.memory_space<vmem>>
    %dma_start3A_49 = arith.constant 0 : i32
    %dma_start3A_50 = arith.constant 0 : i32
    %dma_start3A_51 = tpu.memref_slice %arg7[%dma_start3A_49, %dma_start3A_50] : memref<1001x128xf32, #tpu.memory_space<vmem_shared>> -> memref<1001x128xf32, #tpu.memory_space<vmem_shared>>
    tpu.enqueue_indirect_dma source(%dma_start3A_51 : memref<1001x128xf32, #tpu.memory_space<vmem_shared>>) target(%dma_start3A_45 : memref<128x128xf32, #tpu.memory_space<vmem>>) offsets(%dma_start3A_48 : memref<128xi32, #tpu.memory_space<vmem>>) semaphore(%arg11 : memref<!tpu.dma_semaphore, #tpu.memory_space<semaphore_mem>>)
    %dma_start3A_52 = arith.constant 4 : i32
    %dma_start3A_53 = arith.constant 4 : i32
    %dma_start3A_54 = arith.constant 0 : i32
    %dma_start3A_55 = arith.constant 0 : i32
    %dma_start3A_56 = tpu.memref_slice %arg6[%dma_start3A_53, %dma_start3A_54, %dma_start3A_55] : memref<5x128x128xf32, #tpu.memory_space<vmem>> -> memref<1x128x128xf32, #tpu.memory_space<vmem>>
    %dma_start3A_57 = tpu.memref_squeeze %dma_start3A_56 : memref<1x128x128xf32, #tpu.memory_space<vmem>> -> memref<128x128xf32, #tpu.memory_space<vmem>>
    %dma_start3A_58 = arith.constant 0 : i32
    %dma_start3A_59 = tpu.memref_slice %arg5[%dma_start3A_52, %dma_start3A_58] : memref<50x128xi32, #tpu.memory_space<vmem>> -> memref<1x128xi32, #tpu.memory_space<vmem>>
    %dma_start3A_60 = tpu.memref_squeeze %dma_start3A_59 : memref<1x128xi32, #tpu.memory_space<vmem>> -> memref<128xi32, #tpu.memory_space<vmem>>
    %dma_start3A_61 = arith.constant 0 : i32
    %dma_start3A_62 = arith.constant 0 : i32
    %dma_start3A_63 = tpu.memref_slice %arg7[%dma_start3A_61, %dma_start3A_62] : memref<1001x128xf32, #tpu.memory_space<vmem_shared>> -> memref<1001x128xf32, #tpu.memory_space<vmem_shared>>
    tpu.enqueue_indirect_dma source(%dma_start3A_63 : memref<1001x128xf32, #tpu.memory_space<vmem_shared>>) target(%dma_start3A_57 : memref<128x128xf32, #tpu.memory_space<vmem>>) offsets(%dma_start3A_60 : memref<128xi32, #tpu.memory_space<vmem>>) semaphore(%arg12 : memref<!tpu.dma_semaphore, #tpu.memory_space<semaphore_mem>>)
    %scan3A = arith.constant 0 : i32
    %scan3A_64 = arith.constant 10 : i32
    %scan3A_65 = arith.addi %scan3A, %scan3A_64 : i32
    %scan3A_66 = arith.constant 1 : i32
    scf.for %scan3A_147 = %scan3A to %scan3A_65 step %scan3A_66  : i32 {
      %mul3A_148 = arith.constant 5 : i32
      %mul3A_149 = arith.muli %scan3A_147, %mul3A_148 : i32
      %add3A_150 = arith.constant 0 : i32
      %add3A_151 = arith.addi %add3A_150, %mul3A_149 : i32
      %add3A_152 = arith.constant 0 : i32
      %add3A_153 = arith.addi %add3A_151, %add3A_152 : i32
      %dma_wait3A_154 = arith.constant 0 : i32
      %dma_wait3A_155 = arith.constant 0 : i32
      %dma_wait3A_156 = arith.constant 0 : i32
      %dma_wait3A_157 = tpu.memref_slice %arg6[%dma_wait3A_154, %dma_wait3A_155, %dma_wait3A_156] : memref<5x128x128xf32, #tpu.memory_space<vmem>> -> memref<1x128x128xf32, #tpu.memory_space<vmem>>
      %dma_wait3A_158 = tpu.memref_squeeze %dma_wait3A_157 : memref<1x128x128xf32, #tpu.memory_space<vmem>> -> memref<128x128xf32, #tpu.memory_space<vmem>>
      %dma_wait3A_159 = arith.constant 0 : i32
      %dma_wait3A_160 = tpu.memref_slice %arg5[%add3A_153, %dma_wait3A_159] : memref<50x128xi32, #tpu.memory_space<vmem>> -> memref<1x128xi32, #tpu.memory_space<vmem>>
      %dma_wait3A_161 = tpu.memref_squeeze %dma_wait3A_160 : memref<1x128xi32, #tpu.memory_space<vmem>> -> memref<128xi32, #tpu.memory_space<vmem>>
      %dma_wait3A_162 = arith.constant 0 : i32
      %dma_wait3A_163 = arith.constant 0 : i32
      %dma_wait3A_164 = tpu.memref_slice %arg7[%dma_wait3A_162, %dma_wait3A_163] : memref<1001x128xf32, #tpu.memory_space<vmem_shared>> -> memref<1001x128xf32, #tpu.memory_space<vmem_shared>>
      tpu.wait_indirect_dma semaphore(%arg8 : memref<!tpu.dma_semaphore, #tpu.memory_space<semaphore_mem>>) src(%dma_wait3A_164 : memref<1001x128xf32, #tpu.memory_space<vmem_shared>>) dst(%dma_wait3A_158 : memref<128x128xf32, #tpu.memory_space<vmem>>)
      %dma_start3A_165 = arith.constant 0 : i32
      %dma_start3A_166 = arith.constant 0 : i32
      %dma_start3A_167 = arith.constant 0 : i32
      %dma_start3A_168 = tpu.memref_slice %arg6[%dma_start3A_165, %dma_start3A_166, %dma_start3A_167] : memref<5x128x128xf32, #tpu.memory_space<vmem>> -> memref<1x128x128xf32, #tpu.memory_space<vmem>>
      %dma_start3A_169 = tpu.memref_squeeze %dma_start3A_168 : memref<1x128x128xf32, #tpu.memory_space<vmem>> -> memref<128x128xf32, #tpu.memory_space<vmem>>
      %dma_start3A_170 = arith.constant 0 : i32
      %dma_start3A_171 = tpu.memref_slice %arg4[%add3A_153, %mul3A_4, %dma_start3A_170] : memref<50x4096x128xf32, #tpu.memory_space<hbm>> -> memref<1x128x128xf32, #tpu.memory_space<hbm>>
      %dma_start3A_172 = tpu.memref_squeeze %dma_start3A_171 : memref<1x128x128xf32, #tpu.memory_space<hbm>> -> memref<128x128xf32, #tpu.memory_space<hbm>>
      %dma_start3A_173 = arith.constant 0 : i32
      %dma_start3A_174 = tpu.memref_slice %arg4[%add3A_153, %mul3A_4, %dma_start3A_173] : memref<50x4096x128xf32, #tpu.memory_space<hbm>> -> memref<1x128x128xf32, #tpu.memory_space<hbm>>
      %dma_start3A_175 = tpu.memref_squeeze %dma_start3A_174 : memref<1x128x128xf32, #tpu.memory_space<hbm>> -> memref<128x128xf32, #tpu.memory_space<hbm>>
      %dma_start3A_176 = arith.constant 0 : i32
      %dma_start3A_177 = arith.constant 0 : i32
      %dma_start3A_178 = tpu.memref_slice %arg6[%dma_start3A_165, %dma_start3A_176, %dma_start3A_177] : memref<5x128x128xf32, #tpu.memory_space<vmem>> -> memref<1x128x128xf32, #tpu.memory_space<vmem>>
      %dma_start3A_179 = tpu.memref_squeeze %dma_start3A_178 : memref<1x128x128xf32, #tpu.memory_space<vmem>> -> memref<128x128xf32, #tpu.memory_space<vmem>>
      tpu.enqueue_dma source(%dma_start3A_179 : memref<128x128xf32, #tpu.memory_space<vmem>>) target(%dma_start3A_175 : memref<128x128xf32, #tpu.memory_space<hbm>>) target_semaphore(%arg13 : memref<!tpu.dma_semaphore, #tpu.memory_space<semaphore_mem>>)
      %add3A_180 = arith.constant 1 : i32
      %add3A_181 = arith.addi %add3A_153, %add3A_180 : i32
      %ge3A = arith.constant 5 : i32
      %ge3A_182 = arith.cmpi sge, %add3A_181, %ge3A : i32
      %lt3A = arith.constant 50 : i32
      %lt3A_183 = arith.cmpi slt, %add3A_181, %lt3A : i32
      %and3A = arith.andi %ge3A_182, %lt3A_183 : i1
      %convert_element_type3A_184 = arith.extui %and3A : i1 to i32
      %cond3A_185 = arith.constant 0 : i32
      %cond3A_186 = arith.cmpi ne, %convert_element_type3A_184, %cond3A_185 : i32
      scf.if %cond3A_186 {
        %sub3A = arith.constant 5 : i32
        %sub3A_339 = arith.subi %add3A_181, %sub3A : i32
        %dma_wait3A_340 = arith.constant 1 : i32
        %dma_wait3A_341 = arith.constant 0 : i32
        %dma_wait3A_342 = arith.constant 0 : i32
        %dma_wait3A_343 = tpu.memref_slice %arg6[%dma_wait3A_340, %dma_wait3A_341, %dma_wait3A_342] : memref<5x128x128xf32, #tpu.memory_space<vmem>> -> memref<1x128x128xf32, #tpu.memory_space<vmem>>
        %dma_wait3A_344 = tpu.memref_squeeze %dma_wait3A_343 : memref<1x128x128xf32, #tpu.memory_space<vmem>> -> memref<128x128xf32, #tpu.memory_space<vmem>>
        %dma_wait3A_345 = arith.constant 0 : i32
        %dma_wait3A_346 = tpu.memref_slice %arg4[%sub3A_339, %mul3A_4, %dma_wait3A_345] : memref<50x4096x128xf32, #tpu.memory_space<hbm>> -> memref<1x128x128xf32, #tpu.memory_space<hbm>>
        %dma_wait3A_347 = tpu.memref_squeeze %dma_wait3A_346 : memref<1x128x128xf32, #tpu.memory_space<hbm>> -> memref<128x128xf32, #tpu.memory_space<hbm>>
        %dma_wait3A_348 = arith.constant 0 : i32
        %dma_wait3A_349 = tpu.memref_slice %arg4[%sub3A_339, %mul3A_4, %dma_wait3A_348] : memref<50x4096x128xf32, #tpu.memory_space<hbm>> -> memref<1x128x128xf32, #tpu.memory_space<hbm>>
        %dma_wait3A_350 = tpu.memref_squeeze %dma_wait3A_349 : memref<1x128x128xf32, #tpu.memory_space<hbm>> -> memref<128x128xf32, #tpu.memory_space<hbm>>
        %dma_wait3A_351 = arith.constant 0 : i32
        %dma_wait3A_352 = arith.constant 0 : i32
        %dma_wait3A_353 = tpu.memref_slice %arg6[%dma_wait3A_340, %dma_wait3A_351, %dma_wait3A_352] : memref<5x128x128xf32, #tpu.memory_space<vmem>> -> memref<1x128x128xf32, #tpu.memory_space<vmem>>
        %dma_wait3A_354 = tpu.memref_squeeze %dma_wait3A_353 : memref<1x128x128xf32, #tpu.memory_space<vmem>> -> memref<128x128xf32, #tpu.memory_space<vmem>>
        tpu.wait_dma2 semaphore(%arg14 : memref<!tpu.dma_semaphore, #tpu.memory_space<semaphore_mem>>) src(%dma_wait3A_354 : memref<128x128xf32, #tpu.memory_space<vmem>>) dst(%dma_wait3A_350 : memref<128x128xf32, #tpu.memory_space<hbm>>)
        %dma_start3A_355 = arith.constant 1 : i32
        %dma_start3A_356 = arith.constant 0 : i32
        %dma_start3A_357 = arith.constant 0 : i32
        %dma_start3A_358 = tpu.memref_slice %arg6[%dma_start3A_355, %dma_start3A_356, %dma_start3A_357] : memref<5x128x128xf32, #tpu.memory_space<vmem>> -> memref<1x128x128xf32, #tpu.memory_space<vmem>>
        %dma_start3A_359 = tpu.memref_squeeze %dma_start3A_358 : memref<1x128x128xf32, #tpu.memory_space<vmem>> -> memref<128x128xf32, #tpu.memory_space<vmem>>
        %dma_start3A_360 = arith.constant 0 : i32
        %dma_start3A_361 = tpu.memref_slice %arg5[%add3A_181, %dma_start3A_360] : memref<50x128xi32, #tpu.memory_space<vmem>> -> memref<1x128xi32, #tpu.memory_space<vmem>>
        %dma_start3A_362 = tpu.memref_squeeze %dma_start3A_361 : memref<1x128xi32, #tpu.memory_space<vmem>> -> memref<128xi32, #tpu.memory_space<vmem>>
        %dma_start3A_363 = arith.constant 0 : i32
        %dma_start3A_364 = arith.constant 0 : i32
        %dma_start3A_365 = tpu.memref_slice %arg7[%dma_start3A_363, %dma_start3A_364] : memref<1001x128xf32, #tpu.memory_space<vmem_shared>> -> memref<1001x128xf32, #tpu.memory_space<vmem_shared>>
        tpu.enqueue_indirect_dma source(%dma_start3A_365 : memref<1001x128xf32, #tpu.memory_space<vmem_shared>>) target(%dma_start3A_359 : memref<128x128xf32, #tpu.memory_space<vmem>>) offsets(%dma_start3A_362 : memref<128xi32, #tpu.memory_space<vmem>>) semaphore(%arg9 : memref<!tpu.dma_semaphore, #tpu.memory_space<semaphore_mem>>)
      } else {
      }
      %add3A_187 = arith.constant 1 : i32
      %add3A_188 = arith.addi %add3A_151, %add3A_187 : i32
      %dma_wait3A_189 = arith.constant 1 : i32
      %dma_wait3A_190 = arith.constant 0 : i32
      %dma_wait3A_191 = arith.constant 0 : i32
      %dma_wait3A_192 = tpu.memref_slice %arg6[%dma_wait3A_189, %dma_wait3A_190, %dma_wait3A_191] : memref<5x128x128xf32, #tpu.memory_space<vmem>> -> memref<1x128x128xf32, #tpu.memory_space<vmem>>
      %dma_wait3A_193 = tpu.memref_squeeze %dma_wait3A_192 : memref<1x128x128xf32, #tpu.memory_space<vmem>> -> memref<128x128xf32, #tpu.memory_space<vmem>>
      %dma_wait3A_194 = arith.constant 0 : i32
      %dma_wait3A_195 = tpu.memref_slice %arg5[%add3A_188, %dma_wait3A_194] : memref<50x128xi32, #tpu.memory_space<vmem>> -> memref<1x128xi32, #tpu.memory_space<vmem>>
      %dma_wait3A_196 = tpu.memref_squeeze %dma_wait3A_195 : memref<1x128xi32, #tpu.memory_space<vmem>> -> memref<128xi32, #tpu.memory_space<vmem>>
      %dma_wait3A_197 = arith.constant 0 : i32
      %dma_wait3A_198 = arith.constant 0 : i32
      %dma_wait3A_199 = tpu.memref_slice %arg7[%dma_wait3A_197, %dma_wait3A_198] : memref<1001x128xf32, #tpu.memory_space<vmem_shared>> -> memref<1001x128xf32, #tpu.memory_space<vmem_shared>>
      tpu.wait_indirect_dma semaphore(%arg9 : memref<!tpu.dma_semaphore, #tpu.memory_space<semaphore_mem>>) src(%dma_wait3A_199 : memref<1001x128xf32, #tpu.memory_space<vmem_shared>>) dst(%dma_wait3A_193 : memref<128x128xf32, #tpu.memory_space<vmem>>)
      %dma_start3A_200 = arith.constant 1 : i32
      %dma_start3A_201 = arith.constant 0 : i32
      %dma_start3A_202 = arith.constant 0 : i32
      %dma_start3A_203 = tpu.memref_slice %arg6[%dma_start3A_200, %dma_start3A_201, %dma_start3A_202] : memref<5x128x128xf32, #tpu.memory_space<vmem>> -> memref<1x128x128xf32, #tpu.memory_space<vmem>>
      %dma_start3A_204 = tpu.memref_squeeze %dma_start3A_203 : memref<1x128x128xf32, #tpu.memory_space<vmem>> -> memref<128x128xf32, #tpu.memory_space<vmem>>
      %dma_start3A_205 = arith.constant 0 : i32
      %dma_start3A_206 = tpu.memref_slice %arg4[%add3A_188, %mul3A_4, %dma_start3A_205] : memref<50x4096x128xf32, #tpu.memory_space<hbm>> -> memref<1x128x128xf32, #tpu.memory_space<hbm>>
      %dma_start3A_207 = tpu.memref_squeeze %dma_start3A_206 : memref<1x128x128xf32, #tpu.memory_space<hbm>> -> memref<128x128xf32, #tpu.memory_space<hbm>>
      %dma_start3A_208 = arith.constant 0 : i32
      %dma_start3A_209 = tpu.memref_slice %arg4[%add3A_188, %mul3A_4, %dma_start3A_208] : memref<50x4096x128xf32, #tpu.memory_space<hbm>> -> memref<1x128x128xf32, #tpu.memory_space<hbm>>
      %dma_start3A_210 = tpu.memref_squeeze %dma_start3A_209 : memref<1x128x128xf32, #tpu.memory_space<hbm>> -> memref<128x128xf32, #tpu.memory_space<hbm>>
      %dma_start3A_211 = arith.constant 0 : i32
      %dma_start3A_212 = arith.constant 0 : i32
      %dma_start3A_213 = tpu.memref_slice %arg6[%dma_start3A_200, %dma_start3A_211, %dma_start3A_212] : memref<5x128x128xf32, #tpu.memory_space<vmem>> -> memref<1x128x128xf32, #tpu.memory_space<vmem>>
      %dma_start3A_214 = tpu.memref_squeeze %dma_start3A_213 : memref<1x128x128xf32, #tpu.memory_space<vmem>> -> memref<128x128xf32, #tpu.memory_space<vmem>>
      tpu.enqueue_dma source(%dma_start3A_214 : memref<128x128xf32, #tpu.memory_space<vmem>>) target(%dma_start3A_210 : memref<128x128xf32, #tpu.memory_space<hbm>>) target_semaphore(%arg14 : memref<!tpu.dma_semaphore, #tpu.memory_space<semaphore_mem>>)
      %add3A_215 = arith.constant 1 : i32
      %add3A_216 = arith.addi %add3A_188, %add3A_215 : i32
      %ge3A_217 = arith.constant 5 : i32
      %ge3A_218 = arith.cmpi sge, %add3A_216, %ge3A_217 : i32
      %lt3A_219 = arith.constant 50 : i32
      %lt3A_220 = arith.cmpi slt, %add3A_216, %lt3A_219 : i32
      %and3A_221 = arith.andi %ge3A_218, %lt3A_220 : i1
      %convert_element_type3A_222 = arith.extui %and3A_221 : i1 to i32
      %cond3A_223 = arith.constant 0 : i32
      %cond3A_224 = arith.cmpi ne, %convert_element_type3A_222, %cond3A_223 : i32
      scf.if %cond3A_224 {
        %sub3A = arith.constant 5 : i32
        %sub3A_339 = arith.subi %add3A_216, %sub3A : i32
        %dma_wait3A_340 = arith.constant 2 : i32
        %dma_wait3A_341 = arith.constant 0 : i32
        %dma_wait3A_342 = arith.constant 0 : i32
        %dma_wait3A_343 = tpu.memref_slice %arg6[%dma_wait3A_340, %dma_wait3A_341, %dma_wait3A_342] : memref<5x128x128xf32, #tpu.memory_space<vmem>> -> memref<1x128x128xf32, #tpu.memory_space<vmem>>
        %dma_wait3A_344 = tpu.memref_squeeze %dma_wait3A_343 : memref<1x128x128xf32, #tpu.memory_space<vmem>> -> memref<128x128xf32, #tpu.memory_space<vmem>>
        %dma_wait3A_345 = arith.constant 0 : i32
        %dma_wait3A_346 = tpu.memref_slice %arg4[%sub3A_339, %mul3A_4, %dma_wait3A_345] : memref<50x4096x128xf32, #tpu.memory_space<hbm>> -> memref<1x128x128xf32, #tpu.memory_space<hbm>>
        %dma_wait3A_347 = tpu.memref_squeeze %dma_wait3A_346 : memref<1x128x128xf32, #tpu.memory_space<hbm>> -> memref<128x128xf32, #tpu.memory_space<hbm>>
        %dma_wait3A_348 = arith.constant 0 : i32
        %dma_wait3A_349 = tpu.memref_slice %arg4[%sub3A_339, %mul3A_4, %dma_wait3A_348] : memref<50x4096x128xf32, #tpu.memory_space<hbm>> -> memref<1x128x128xf32, #tpu.memory_space<hbm>>
        %dma_wait3A_350 = tpu.memref_squeeze %dma_wait3A_349 : memref<1x128x128xf32, #tpu.memory_space<hbm>> -> memref<128x128xf32, #tpu.memory_space<hbm>>
        %dma_wait3A_351 = arith.constant 0 : i32
        %dma_wait3A_352 = arith.constant 0 : i32
        %dma_wait3A_353 = tpu.memref_slice %arg6[%dma_wait3A_340, %dma_wait3A_351, %dma_wait3A_352] : memref<5x128x128xf32, #tpu.memory_space<vmem>> -> memref<1x128x128xf32, #tpu.memory_space<vmem>>
        %dma_wait3A_354 = tpu.memref_squeeze %dma_wait3A_353 : memref<1x128x128xf32, #tpu.memory_space<vmem>> -> memref<128x128xf32, #tpu.memory_space<vmem>>
        tpu.wait_dma2 semaphore(%arg15 : memref<!tpu.dma_semaphore, #tpu.memory_space<semaphore_mem>>) src(%dma_wait3A_354 : memref<128x128xf32, #tpu.memory_space<vmem>>) dst(%dma_wait3A_350 : memref<128x128xf32, #tpu.memory_space<hbm>>)
        %dma_start3A_355 = arith.constant 2 : i32
        %dma_start3A_356 = arith.constant 0 : i32
        %dma_start3A_357 = arith.constant 0 : i32
        %dma_start3A_358 = tpu.memref_slice %arg6[%dma_start3A_355, %dma_start3A_356, %dma_start3A_357] : memref<5x128x128xf32, #tpu.memory_space<vmem>> -> memref<1x128x128xf32, #tpu.memory_space<vmem>>
        %dma_start3A_359 = tpu.memref_squeeze %dma_start3A_358 : memref<1x128x128xf32, #tpu.memory_space<vmem>> -> memref<128x128xf32, #tpu.memory_space<vmem>>
        %dma_start3A_360 = arith.constant 0 : i32
        %dma_start3A_361 = tpu.memref_slice %arg5[%add3A_216, %dma_start3A_360] : memref<50x128xi32, #tpu.memory_space<vmem>> -> memref<1x128xi32, #tpu.memory_space<vmem>>
        %dma_start3A_362 = tpu.memref_squeeze %dma_start3A_361 : memref<1x128xi32, #tpu.memory_space<vmem>> -> memref<128xi32, #tpu.memory_space<vmem>>
        %dma_start3A_363 = arith.constant 0 : i32
        %dma_start3A_364 = arith.constant 0 : i32
        %dma_start3A_365 = tpu.memref_slice %arg7[%dma_start3A_363, %dma_start3A_364] : memref<1001x128xf32, #tpu.memory_space<vmem_shared>> -> memref<1001x128xf32, #tpu.memory_space<vmem_shared>>
        tpu.enqueue_indirect_dma source(%dma_start3A_365 : memref<1001x128xf32, #tpu.memory_space<vmem_shared>>) target(%dma_start3A_359 : memref<128x128xf32, #tpu.memory_space<vmem>>) offsets(%dma_start3A_362 : memref<128xi32, #tpu.memory_space<vmem>>) semaphore(%arg10 : memref<!tpu.dma_semaphore, #tpu.memory_space<semaphore_mem>>)
      } else {
      }
      %add3A_225 = arith.constant 2 : i32
      %add3A_226 = arith.addi %add3A_151, %add3A_225 : i32
      %dma_wait3A_227 = arith.constant 2 : i32
      %dma_wait3A_228 = arith.constant 0 : i32
      %dma_wait3A_229 = arith.constant 0 : i32
      %dma_wait3A_230 = tpu.memref_slice %arg6[%dma_wait3A_227, %dma_wait3A_228, %dma_wait3A_229] : memref<5x128x128xf32, #tpu.memory_space<vmem>> -> memref<1x128x128xf32, #tpu.memory_space<vmem>>
      %dma_wait3A_231 = tpu.memref_squeeze %dma_wait3A_230 : memref<1x128x128xf32, #tpu.memory_space<vmem>> -> memref<128x128xf32, #tpu.memory_space<vmem>>
      %dma_wait3A_232 = arith.constant 0 : i32
      %dma_wait3A_233 = tpu.memref_slice %arg5[%add3A_226, %dma_wait3A_232] : memref<50x128xi32, #tpu.memory_space<vmem>> -> memref<1x128xi32, #tpu.memory_space<vmem>>
      %dma_wait3A_234 = tpu.memref_squeeze %dma_wait3A_233 : memref<1x128xi32, #tpu.memory_space<vmem>> -> memref<128xi32, #tpu.memory_space<vmem>>
      %dma_wait3A_235 = arith.constant 0 : i32
      %dma_wait3A_236 = arith.constant 0 : i32
      %dma_wait3A_237 = tpu.memref_slice %arg7[%dma_wait3A_235, %dma_wait3A_236] : memref<1001x128xf32, #tpu.memory_space<vmem_shared>> -> memref<1001x128xf32, #tpu.memory_space<vmem_shared>>
      tpu.wait_indirect_dma semaphore(%arg10 : memref<!tpu.dma_semaphore, #tpu.memory_space<semaphore_mem>>) src(%dma_wait3A_237 : memref<1001x128xf32, #tpu.memory_space<vmem_shared>>) dst(%dma_wait3A_231 : memref<128x128xf32, #tpu.memory_space<vmem>>)
      %dma_start3A_238 = arith.constant 2 : i32
      %dma_start3A_239 = arith.constant 0 : i32
      %dma_start3A_240 = arith.constant 0 : i32
      %dma_start3A_241 = tpu.memref_slice %arg6[%dma_start3A_238, %dma_start3A_239, %dma_start3A_240] : memref<5x128x128xf32, #tpu.memory_space<vmem>> -> memref<1x128x128xf32, #tpu.memory_space<vmem>>
      %dma_start3A_242 = tpu.memref_squeeze %dma_start3A_241 : memref<1x128x128xf32, #tpu.memory_space<vmem>> -> memref<128x128xf32, #tpu.memory_space<vmem>>
      %dma_start3A_243 = arith.constant 0 : i32
      %dma_start3A_244 = tpu.memref_slice %arg4[%add3A_226, %mul3A_4, %dma_start3A_243] : memref<50x4096x128xf32, #tpu.memory_space<hbm>> -> memref<1x128x128xf32, #tpu.memory_space<hbm>>
      %dma_start3A_245 = tpu.memref_squeeze %dma_start3A_244 : memref<1x128x128xf32, #tpu.memory_space<hbm>> -> memref<128x128xf32, #tpu.memory_space<hbm>>
      %dma_start3A_246 = arith.constant 0 : i32
      %dma_start3A_247 = tpu.memref_slice %arg4[%add3A_226, %mul3A_4, %dma_start3A_246] : memref<50x4096x128xf32, #tpu.memory_space<hbm>> -> memref<1x128x128xf32, #tpu.memory_space<hbm>>
      %dma_start3A_248 = tpu.memref_squeeze %dma_start3A_247 : memref<1x128x128xf32, #tpu.memory_space<hbm>> -> memref<128x128xf32, #tpu.memory_space<hbm>>
      %dma_start3A_249 = arith.constant 0 : i32
      %dma_start3A_250 = arith.constant 0 : i32
      %dma_start3A_251 = tpu.memref_slice %arg6[%dma_start3A_238, %dma_start3A_249, %dma_start3A_250] : memref<5x128x128xf32, #tpu.memory_space<vmem>> -> memref<1x128x128xf32, #tpu.memory_space<vmem>>
      %dma_start3A_252 = tpu.memref_squeeze %dma_start3A_251 : memref<1x128x128xf32, #tpu.memory_space<vmem>> -> memref<128x128xf32, #tpu.memory_space<vmem>>
      tpu.enqueue_dma source(%dma_start3A_252 : memref<128x128xf32, #tpu.memory_space<vmem>>) target(%dma_start3A_248 : memref<128x128xf32, #tpu.memory_space<hbm>>) target_semaphore(%arg15 : memref<!tpu.dma_semaphore, #tpu.memory_space<semaphore_mem>>)
      %add3A_253 = arith.constant 1 : i32
      %add3A_254 = arith.addi %add3A_226, %add3A_253 : i32
      %ge3A_255 = arith.constant 5 : i32
      %ge3A_256 = arith.cmpi sge, %add3A_254, %ge3A_255 : i32
      %lt3A_257 = arith.constant 50 : i32
      %lt3A_258 = arith.cmpi slt, %add3A_254, %lt3A_257 : i32
      %and3A_259 = arith.andi %ge3A_256, %lt3A_258 : i1
      %convert_element_type3A_260 = arith.extui %and3A_259 : i1 to i32
      %cond3A_261 = arith.constant 0 : i32
      %cond3A_262 = arith.cmpi ne, %convert_element_type3A_260, %cond3A_261 : i32
      scf.if %cond3A_262 {
        %sub3A = arith.constant 5 : i32
        %sub3A_339 = arith.subi %add3A_254, %sub3A : i32
        %dma_wait3A_340 = arith.constant 3 : i32
        %dma_wait3A_341 = arith.constant 0 : i32
        %dma_wait3A_342 = arith.constant 0 : i32
        %dma_wait3A_343 = tpu.memref_slice %arg6[%dma_wait3A_340, %dma_wait3A_341, %dma_wait3A_342] : memref<5x128x128xf32, #tpu.memory_space<vmem>> -> memref<1x128x128xf32, #tpu.memory_space<vmem>>
        %dma_wait3A_344 = tpu.memref_squeeze %dma_wait3A_343 : memref<1x128x128xf32, #tpu.memory_space<vmem>> -> memref<128x128xf32, #tpu.memory_space<vmem>>
        %dma_wait3A_345 = arith.constant 0 : i32
        %dma_wait3A_346 = tpu.memref_slice %arg4[%sub3A_339, %mul3A_4, %dma_wait3A_345] : memref<50x4096x128xf32, #tpu.memory_space<hbm>> -> memref<1x128x128xf32, #tpu.memory_space<hbm>>
        %dma_wait3A_347 = tpu.memref_squeeze %dma_wait3A_346 : memref<1x128x128xf32, #tpu.memory_space<hbm>> -> memref<128x128xf32, #tpu.memory_space<hbm>>
        %dma_wait3A_348 = arith.constant 0 : i32
        %dma_wait3A_349 = tpu.memref_slice %arg4[%sub3A_339, %mul3A_4, %dma_wait3A_348] : memref<50x4096x128xf32, #tpu.memory_space<hbm>> -> memref<1x128x128xf32, #tpu.memory_space<hbm>>
        %dma_wait3A_350 = tpu.memref_squeeze %dma_wait3A_349 : memref<1x128x128xf32, #tpu.memory_space<hbm>> -> memref<128x128xf32, #tpu.memory_space<hbm>>
        %dma_wait3A_351 = arith.constant 0 : i32
        %dma_wait3A_352 = arith.constant 0 : i32
        %dma_wait3A_353 = tpu.memref_slice %arg6[%dma_wait3A_340, %dma_wait3A_351, %dma_wait3A_352] : memref<5x128x128xf32, #tpu.memory_space<vmem>> -> memref<1x128x128xf32, #tpu.memory_space<vmem>>
        %dma_wait3A_354 = tpu.memref_squeeze %dma_wait3A_353 : memref<1x128x128xf32, #tpu.memory_space<vmem>> -> memref<128x128xf32, #tpu.memory_space<vmem>>
        tpu.wait_dma2 semaphore(%arg16 : memref<!tpu.dma_semaphore, #tpu.memory_space<semaphore_mem>>) src(%dma_wait3A_354 : memref<128x128xf32, #tpu.memory_space<vmem>>) dst(%dma_wait3A_350 : memref<128x128xf32, #tpu.memory_space<hbm>>)
        %dma_start3A_355 = arith.constant 3 : i32
        %dma_start3A_356 = arith.constant 0 : i32
        %dma_start3A_357 = arith.constant 0 : i32
        %dma_start3A_358 = tpu.memref_slice %arg6[%dma_start3A_355, %dma_start3A_356, %dma_start3A_357] : memref<5x128x128xf32, #tpu.memory_space<vmem>> -> memref<1x128x128xf32, #tpu.memory_space<vmem>>
        %dma_start3A_359 = tpu.memref_squeeze %dma_start3A_358 : memref<1x128x128xf32, #tpu.memory_space<vmem>> -> memref<128x128xf32, #tpu.memory_space<vmem>>
        %dma_start3A_360 = arith.constant 0 : i32
        %dma_start3A_361 = tpu.memref_slice %arg5[%add3A_254, %dma_start3A_360] : memref<50x128xi32, #tpu.memory_space<vmem>> -> memref<1x128xi32, #tpu.memory_space<vmem>>
        %dma_start3A_362 = tpu.memref_squeeze %dma_start3A_361 : memref<1x128xi32, #tpu.memory_space<vmem>> -> memref<128xi32, #tpu.memory_space<vmem>>
        %dma_start3A_363 = arith.constant 0 : i32
        %dma_start3A_364 = arith.constant 0 : i32
        %dma_start3A_365 = tpu.memref_slice %arg7[%dma_start3A_363, %dma_start3A_364] : memref<1001x128xf32, #tpu.memory_space<vmem_shared>> -> memref<1001x128xf32, #tpu.memory_space<vmem_shared>>
        tpu.enqueue_indirect_dma source(%dma_start3A_365 : memref<1001x128xf32, #tpu.memory_space<vmem_shared>>) target(%dma_start3A_359 : memref<128x128xf32, #tpu.memory_space<vmem>>) offsets(%dma_start3A_362 : memref<128xi32, #tpu.memory_space<vmem>>) semaphore(%arg11 : memref<!tpu.dma_semaphore, #tpu.memory_space<semaphore_mem>>)
      } else {
      }
      %add3A_263 = arith.constant 3 : i32
      %add3A_264 = arith.addi %add3A_151, %add3A_263 : i32
      %dma_wait3A_265 = arith.constant 3 : i32
      %dma_wait3A_266 = arith.constant 0 : i32
      %dma_wait3A_267 = arith.constant 0 : i32
      %dma_wait3A_268 = tpu.memref_slice %arg6[%dma_wait3A_265, %dma_wait3A_266, %dma_wait3A_267] : memref<5x128x128xf32, #tpu.memory_space<vmem>> -> memref<1x128x128xf32, #tpu.memory_space<vmem>>
      %dma_wait3A_269 = tpu.memref_squeeze %dma_wait3A_268 : memref<1x128x128xf32, #tpu.memory_space<vmem>> -> memref<128x128xf32, #tpu.memory_space<vmem>>
      %dma_wait3A_270 = arith.constant 0 : i32
      %dma_wait3A_271 = tpu.memref_slice %arg5[%add3A_264, %dma_wait3A_270] : memref<50x128xi32, #tpu.memory_space<vmem>> -> memref<1x128xi32, #tpu.memory_space<vmem>>
      %dma_wait3A_272 = tpu.memref_squeeze %dma_wait3A_271 : memref<1x128xi32, #tpu.memory_space<vmem>> -> memref<128xi32, #tpu.memory_space<vmem>>
      %dma_wait3A_273 = arith.constant 0 : i32
      %dma_wait3A_274 = arith.constant 0 : i32
      %dma_wait3A_275 = tpu.memref_slice %arg7[%dma_wait3A_273, %dma_wait3A_274] : memref<1001x128xf32, #tpu.memory_space<vmem_shared>> -> memref<1001x128xf32, #tpu.memory_space<vmem_shared>>
      tpu.wait_indirect_dma semaphore(%arg11 : memref<!tpu.dma_semaphore, #tpu.memory_space<semaphore_mem>>) src(%dma_wait3A_275 : memref<1001x128xf32, #tpu.memory_space<vmem_shared>>) dst(%dma_wait3A_269 : memref<128x128xf32, #tpu.memory_space<vmem>>)
      %dma_start3A_276 = arith.constant 3 : i32
      %dma_start3A_277 = arith.constant 0 : i32
      %dma_start3A_278 = arith.constant 0 : i32
      %dma_start3A_279 = tpu.memref_slice %arg6[%dma_start3A_276, %dma_start3A_277, %dma_start3A_278] : memref<5x128x128xf32, #tpu.memory_space<vmem>> -> memref<1x128x128xf32, #tpu.memory_space<vmem>>
      %dma_start3A_280 = tpu.memref_squeeze %dma_start3A_279 : memref<1x128x128xf32, #tpu.memory_space<vmem>> -> memref<128x128xf32, #tpu.memory_space<vmem>>
      %dma_start3A_281 = arith.constant 0 : i32
      %dma_start3A_282 = tpu.memref_slice %arg4[%add3A_264, %mul3A_4, %dma_start3A_281] : memref<50x4096x128xf32, #tpu.memory_space<hbm>> -> memref<1x128x128xf32, #tpu.memory_space<hbm>>
      %dma_start3A_283 = tpu.memref_squeeze %dma_start3A_282 : memref<1x128x128xf32, #tpu.memory_space<hbm>> -> memref<128x128xf32, #tpu.memory_space<hbm>>
      %dma_start3A_284 = arith.constant 0 : i32
      %dma_start3A_285 = tpu.memref_slice %arg4[%add3A_264, %mul3A_4, %dma_start3A_284] : memref<50x4096x128xf32, #tpu.memory_space<hbm>> -> memref<1x128x128xf32, #tpu.memory_space<hbm>>
      %dma_start3A_286 = tpu.memref_squeeze %dma_start3A_285 : memref<1x128x128xf32, #tpu.memory_space<hbm>> -> memref<128x128xf32, #tpu.memory_space<hbm>>
      %dma_start3A_287 = arith.constant 0 : i32
      %dma_start3A_288 = arith.constant 0 : i32
      %dma_start3A_289 = tpu.memref_slice %arg6[%dma_start3A_276, %dma_start3A_287, %dma_start3A_288] : memref<5x128x128xf32, #tpu.memory_space<vmem>> -> memref<1x128x128xf32, #tpu.memory_space<vmem>>
      %dma_start3A_290 = tpu.memref_squeeze %dma_start3A_289 : memref<1x128x128xf32, #tpu.memory_space<vmem>> -> memref<128x128xf32, #tpu.memory_space<vmem>>
      tpu.enqueue_dma source(%dma_start3A_290 : memref<128x128xf32, #tpu.memory_space<vmem>>) target(%dma_start3A_286 : memref<128x128xf32, #tpu.memory_space<hbm>>) target_semaphore(%arg16 : memref<!tpu.dma_semaphore, #tpu.memory_space<semaphore_mem>>)
      %add3A_291 = arith.constant 1 : i32
      %add3A_292 = arith.addi %add3A_264, %add3A_291 : i32
      %ge3A_293 = arith.constant 5 : i32
      %ge3A_294 = arith.cmpi sge, %add3A_292, %ge3A_293 : i32
      %lt3A_295 = arith.constant 50 : i32
      %lt3A_296 = arith.cmpi slt, %add3A_292, %lt3A_295 : i32
      %and3A_297 = arith.andi %ge3A_294, %lt3A_296 : i1
      %convert_element_type3A_298 = arith.extui %and3A_297 : i1 to i32
      %cond3A_299 = arith.constant 0 : i32
      %cond3A_300 = arith.cmpi ne, %convert_element_type3A_298, %cond3A_299 : i32
      scf.if %cond3A_300 {
        %sub3A = arith.constant 5 : i32
        %sub3A_339 = arith.subi %add3A_292, %sub3A : i32
        %dma_wait3A_340 = arith.constant 4 : i32
        %dma_wait3A_341 = arith.constant 0 : i32
        %dma_wait3A_342 = arith.constant 0 : i32
        %dma_wait3A_343 = tpu.memref_slice %arg6[%dma_wait3A_340, %dma_wait3A_341, %dma_wait3A_342] : memref<5x128x128xf32, #tpu.memory_space<vmem>> -> memref<1x128x128xf32, #tpu.memory_space<vmem>>
        %dma_wait3A_344 = tpu.memref_squeeze %dma_wait3A_343 : memref<1x128x128xf32, #tpu.memory_space<vmem>> -> memref<128x128xf32, #tpu.memory_space<vmem>>
        %dma_wait3A_345 = arith.constant 0 : i32
        %dma_wait3A_346 = tpu.memref_slice %arg4[%sub3A_339, %mul3A_4, %dma_wait3A_345] : memref<50x4096x128xf32, #tpu.memory_space<hbm>> -> memref<1x128x128xf32, #tpu.memory_space<hbm>>
        %dma_wait3A_347 = tpu.memref_squeeze %dma_wait3A_346 : memref<1x128x128xf32, #tpu.memory_space<hbm>> -> memref<128x128xf32, #tpu.memory_space<hbm>>
        %dma_wait3A_348 = arith.constant 0 : i32
        %dma_wait3A_349 = tpu.memref_slice %arg4[%sub3A_339, %mul3A_4, %dma_wait3A_348] : memref<50x4096x128xf32, #tpu.memory_space<hbm>> -> memref<1x128x128xf32, #tpu.memory_space<hbm>>
        %dma_wait3A_350 = tpu.memref_squeeze %dma_wait3A_349 : memref<1x128x128xf32, #tpu.memory_space<hbm>> -> memref<128x128xf32, #tpu.memory_space<hbm>>
        %dma_wait3A_351 = arith.constant 0 : i32
        %dma_wait3A_352 = arith.constant 0 : i32
        %dma_wait3A_353 = tpu.memref_slice %arg6[%dma_wait3A_340, %dma_wait3A_351, %dma_wait3A_352] : memref<5x128x128xf32, #tpu.memory_space<vmem>> -> memref<1x128x128xf32, #tpu.memory_space<vmem>>
        %dma_wait3A_354 = tpu.memref_squeeze %dma_wait3A_353 : memref<1x128x128xf32, #tpu.memory_space<vmem>> -> memref<128x128xf32, #tpu.memory_space<vmem>>
        tpu.wait_dma2 semaphore(%arg17 : memref<!tpu.dma_semaphore, #tpu.memory_space<semaphore_mem>>) src(%dma_wait3A_354 : memref<128x128xf32, #tpu.memory_space<vmem>>) dst(%dma_wait3A_350 : memref<128x128xf32, #tpu.memory_space<hbm>>)
        %dma_start3A_355 = arith.constant 4 : i32
        %dma_start3A_356 = arith.constant 0 : i32
        %dma_start3A_357 = arith.constant 0 : i32
        %dma_start3A_358 = tpu.memref_slice %arg6[%dma_start3A_355, %dma_start3A_356, %dma_start3A_357] : memref<5x128x128xf32, #tpu.memory_space<vmem>> -> memref<1x128x128xf32, #tpu.memory_space<vmem>>
        %dma_start3A_359 = tpu.memref_squeeze %dma_start3A_358 : memref<1x128x128xf32, #tpu.memory_space<vmem>> -> memref<128x128xf32, #tpu.memory_space<vmem>>
        %dma_start3A_360 = arith.constant 0 : i32
        %dma_start3A_361 = tpu.memref_slice %arg5[%add3A_292, %dma_start3A_360] : memref<50x128xi32, #tpu.memory_space<vmem>> -> memref<1x128xi32, #tpu.memory_space<vmem>>
        %dma_start3A_362 = tpu.memref_squeeze %dma_start3A_361 : memref<1x128xi32, #tpu.memory_space<vmem>> -> memref<128xi32, #tpu.memory_space<vmem>>
        %dma_start3A_363 = arith.constant 0 : i32
        %dma_start3A_364 = arith.constant 0 : i32
        %dma_start3A_365 = tpu.memref_slice %arg7[%dma_start3A_363, %dma_start3A_364] : memref<1001x128xf32, #tpu.memory_space<vmem_shared>> -> memref<1001x128xf32, #tpu.memory_space<vmem_shared>>
        tpu.enqueue_indirect_dma source(%dma_start3A_365 : memref<1001x128xf32, #tpu.memory_space<vmem_shared>>) target(%dma_start3A_359 : memref<128x128xf32, #tpu.memory_space<vmem>>) offsets(%dma_start3A_362 : memref<128xi32, #tpu.memory_space<vmem>>) semaphore(%arg12 : memref<!tpu.dma_semaphore, #tpu.memory_space<semaphore_mem>>)
      } else {
      }
      %add3A_301 = arith.constant 4 : i32
      %add3A_302 = arith.addi %add3A_151, %add3A_301 : i32
      %dma_wait3A_303 = arith.constant 4 : i32
      %dma_wait3A_304 = arith.constant 0 : i32
      %dma_wait3A_305 = arith.constant 0 : i32
      %dma_wait3A_306 = tpu.memref_slice %arg6[%dma_wait3A_303, %dma_wait3A_304, %dma_wait3A_305] : memref<5x128x128xf32, #tpu.memory_space<vmem>> -> memref<1x128x128xf32, #tpu.memory_space<vmem>>
      %dma_wait3A_307 = tpu.memref_squeeze %dma_wait3A_306 : memref<1x128x128xf32, #tpu.memory_space<vmem>> -> memref<128x128xf32, #tpu.memory_space<vmem>>
      %dma_wait3A_308 = arith.constant 0 : i32
      %dma_wait3A_309 = tpu.memref_slice %arg5[%add3A_302, %dma_wait3A_308] : memref<50x128xi32, #tpu.memory_space<vmem>> -> memref<1x128xi32, #tpu.memory_space<vmem>>
      %dma_wait3A_310 = tpu.memref_squeeze %dma_wait3A_309 : memref<1x128xi32, #tpu.memory_space<vmem>> -> memref<128xi32, #tpu.memory_space<vmem>>
      %dma_wait3A_311 = arith.constant 0 : i32
      %dma_wait3A_312 = arith.constant 0 : i32
      %dma_wait3A_313 = tpu.memref_slice %arg7[%dma_wait3A_311, %dma_wait3A_312] : memref<1001x128xf32, #tpu.memory_space<vmem_shared>> -> memref<1001x128xf32, #tpu.memory_space<vmem_shared>>
      tpu.wait_indirect_dma semaphore(%arg12 : memref<!tpu.dma_semaphore, #tpu.memory_space<semaphore_mem>>) src(%dma_wait3A_313 : memref<1001x128xf32, #tpu.memory_space<vmem_shared>>) dst(%dma_wait3A_307 : memref<128x128xf32, #tpu.memory_space<vmem>>)
      %dma_start3A_314 = arith.constant 4 : i32
      %dma_start3A_315 = arith.constant 0 : i32
      %dma_start3A_316 = arith.constant 0 : i32
      %dma_start3A_317 = tpu.memref_slice %arg6[%dma_start3A_314, %dma_start3A_315, %dma_start3A_316] : memref<5x128x128xf32, #tpu.memory_space<vmem>> -> memref<1x128x128xf32, #tpu.memory_space<vmem>>
      %dma_start3A_318 = tpu.memref_squeeze %dma_start3A_317 : memref<1x128x128xf32, #tpu.memory_space<vmem>> -> memref<128x128xf32, #tpu.memory_space<vmem>>
      %dma_start3A_319 = arith.constant 0 : i32
      %dma_start3A_320 = tpu.memref_slice %arg4[%add3A_302, %mul3A_4, %dma_start3A_319] : memref<50x4096x128xf32, #tpu.memory_space<hbm>> -> memref<1x128x128xf32, #tpu.memory_space<hbm>>
      %dma_start3A_321 = tpu.memref_squeeze %dma_start3A_320 : memref<1x128x128xf32, #tpu.memory_space<hbm>> -> memref<128x128xf32, #tpu.memory_space<hbm>>
      %dma_start3A_322 = arith.constant 0 : i32
      %dma_start3A_323 = tpu.memref_slice %arg4[%add3A_302, %mul3A_4, %dma_start3A_322] : memref<50x4096x128xf32, #tpu.memory_space<hbm>> -> memref<1x128x128xf32, #tpu.memory_space<hbm>>
      %dma_start3A_324 = tpu.memref_squeeze %dma_start3A_323 : memref<1x128x128xf32, #tpu.memory_space<hbm>> -> memref<128x128xf32, #tpu.memory_space<hbm>>
      %dma_start3A_325 = arith.constant 0 : i32
      %dma_start3A_326 = arith.constant 0 : i32
      %dma_start3A_327 = tpu.memref_slice %arg6[%dma_start3A_314, %dma_start3A_325, %dma_start3A_326] : memref<5x128x128xf32, #tpu.memory_space<vmem>> -> memref<1x128x128xf32, #tpu.memory_space<vmem>>
      %dma_start3A_328 = tpu.memref_squeeze %dma_start3A_327 : memref<1x128x128xf32, #tpu.memory_space<vmem>> -> memref<128x128xf32, #tpu.memory_space<vmem>>
      tpu.enqueue_dma source(%dma_start3A_328 : memref<128x128xf32, #tpu.memory_space<vmem>>) target(%dma_start3A_324 : memref<128x128xf32, #tpu.memory_space<hbm>>) target_semaphore(%arg17 : memref<!tpu.dma_semaphore, #tpu.memory_space<semaphore_mem>>)
      %add3A_329 = arith.constant 1 : i32
      %add3A_330 = arith.addi %add3A_302, %add3A_329 : i32
      %ge3A_331 = arith.constant 5 : i32
      %ge3A_332 = arith.cmpi sge, %add3A_330, %ge3A_331 : i32
      %lt3A_333 = arith.constant 50 : i32
      %lt3A_334 = arith.cmpi slt, %add3A_330, %lt3A_333 : i32
      %and3A_335 = arith.andi %ge3A_332, %lt3A_334 : i1
      %convert_element_type3A_336 = arith.extui %and3A_335 : i1 to i32
      %cond3A_337 = arith.constant 0 : i32
      %cond3A_338 = arith.cmpi ne, %convert_element_type3A_336, %cond3A_337 : i32
      scf.if %cond3A_338 {
        %sub3A = arith.constant 5 : i32
        %sub3A_339 = arith.subi %add3A_330, %sub3A : i32
        %dma_wait3A_340 = arith.constant 0 : i32
        %dma_wait3A_341 = arith.constant 0 : i32
        %dma_wait3A_342 = arith.constant 0 : i32
        %dma_wait3A_343 = tpu.memref_slice %arg6[%dma_wait3A_340, %dma_wait3A_341, %dma_wait3A_342] : memref<5x128x128xf32, #tpu.memory_space<vmem>> -> memref<1x128x128xf32, #tpu.memory_space<vmem>>
        %dma_wait3A_344 = tpu.memref_squeeze %dma_wait3A_343 : memref<1x128x128xf32, #tpu.memory_space<vmem>> -> memref<128x128xf32, #tpu.memory_space<vmem>>
        %dma_wait3A_345 = arith.constant 0 : i32
        %dma_wait3A_346 = tpu.memref_slice %arg4[%sub3A_339, %mul3A_4, %dma_wait3A_345] : memref<50x4096x128xf32, #tpu.memory_space<hbm>> -> memref<1x128x128xf32, #tpu.memory_space<hbm>>
        %dma_wait3A_347 = tpu.memref_squeeze %dma_wait3A_346 : memref<1x128x128xf32, #tpu.memory_space<hbm>> -> memref<128x128xf32, #tpu.memory_space<hbm>>
        %dma_wait3A_348 = arith.constant 0 : i32
        %dma_wait3A_349 = tpu.memref_slice %arg4[%sub3A_339, %mul3A_4, %dma_wait3A_348] : memref<50x4096x128xf32, #tpu.memory_space<hbm>> -> memref<1x128x128xf32, #tpu.memory_space<hbm>>
        %dma_wait3A_350 = tpu.memref_squeeze %dma_wait3A_349 : memref<1x128x128xf32, #tpu.memory_space<hbm>> -> memref<128x128xf32, #tpu.memory_space<hbm>>
        %dma_wait3A_351 = arith.constant 0 : i32
        %dma_wait3A_352 = arith.constant 0 : i32
        %dma_wait3A_353 = tpu.memref_slice %arg6[%dma_wait3A_340, %dma_wait3A_351, %dma_wait3A_352] : memref<5x128x128xf32, #tpu.memory_space<vmem>> -> memref<1x128x128xf32, #tpu.memory_space<vmem>>
        %dma_wait3A_354 = tpu.memref_squeeze %dma_wait3A_353 : memref<1x128x128xf32, #tpu.memory_space<vmem>> -> memref<128x128xf32, #tpu.memory_space<vmem>>
        tpu.wait_dma2 semaphore(%arg13 : memref<!tpu.dma_semaphore, #tpu.memory_space<semaphore_mem>>) src(%dma_wait3A_354 : memref<128x128xf32, #tpu.memory_space<vmem>>) dst(%dma_wait3A_350 : memref<128x128xf32, #tpu.memory_space<hbm>>)
        %dma_start3A_355 = arith.constant 0 : i32
        %dma_start3A_356 = arith.constant 0 : i32
        %dma_start3A_357 = arith.constant 0 : i32
        %dma_start3A_358 = tpu.memref_slice %arg6[%dma_start3A_355, %dma_start3A_356, %dma_start3A_357] : memref<5x128x128xf32, #tpu.memory_space<vmem>> -> memref<1x128x128xf32, #tpu.memory_space<vmem>>
        %dma_start3A_359 = tpu.memref_squeeze %dma_start3A_358 : memref<1x128x128xf32, #tpu.memory_space<vmem>> -> memref<128x128xf32, #tpu.memory_space<vmem>>
        %dma_start3A_360 = arith.constant 0 : i32
        %dma_start3A_361 = tpu.memref_slice %arg5[%add3A_330, %dma_start3A_360] : memref<50x128xi32, #tpu.memory_space<vmem>> -> memref<1x128xi32, #tpu.memory_space<vmem>>
        %dma_start3A_362 = tpu.memref_squeeze %dma_start3A_361 : memref<1x128xi32, #tpu.memory_space<vmem>> -> memref<128xi32, #tpu.memory_space<vmem>>
        %dma_start3A_363 = arith.constant 0 : i32
        %dma_start3A_364 = arith.constant 0 : i32
        %dma_start3A_365 = tpu.memref_slice %arg7[%dma_start3A_363, %dma_start3A_364] : memref<1001x128xf32, #tpu.memory_space<vmem_shared>> -> memref<1001x128xf32, #tpu.memory_space<vmem_shared>>
        tpu.enqueue_indirect_dma source(%dma_start3A_365 : memref<1001x128xf32, #tpu.memory_space<vmem_shared>>) target(%dma_start3A_359 : memref<128x128xf32, #tpu.memory_space<vmem>>) offsets(%dma_start3A_362 : memref<128xi32, #tpu.memory_space<vmem>>) semaphore(%arg8 : memref<!tpu.dma_semaphore, #tpu.memory_space<semaphore_mem>>)
      } else {
      }
    }
    %scan3A_67 = arith.constant 10 : i32
    %dma_wait3A = arith.constant 0 : i32
    %dma_wait3A_68 = arith.constant 45 : i32
    %dma_wait3A_69 = arith.constant 0 : i32
    %dma_wait3A_70 = arith.constant 0 : i32
    %dma_wait3A_71 = tpu.memref_slice %arg6[%dma_wait3A, %dma_wait3A_69, %dma_wait3A_70] : memref<5x128x128xf32, #tpu.memory_space<vmem>> -> memref<1x128x128xf32, #tpu.memory_space<vmem>>
    %dma_wait3A_72 = tpu.memref_squeeze %dma_wait3A_71 : memref<1x128x128xf32, #tpu.memory_space<vmem>> -> memref<128x128xf32, #tpu.memory_space<vmem>>
    %dma_wait3A_73 = arith.constant 0 : i32
    %dma_wait3A_74 = tpu.memref_slice %arg4[%dma_wait3A_68, %mul3A_4, %dma_wait3A_73] : memref<50x4096x128xf32, #tpu.memory_space<hbm>> -> memref<1x128x128xf32, #tpu.memory_space<hbm>>
    %dma_wait3A_75 = tpu.memref_squeeze %dma_wait3A_74 : memref<1x128x128xf32, #tpu.memory_space<hbm>> -> memref<128x128xf32, #tpu.memory_space<hbm>>
    %dma_wait3A_76 = arith.constant 0 : i32
    %dma_wait3A_77 = tpu.memref_slice %arg4[%dma_wait3A_68, %mul3A_4, %dma_wait3A_76] : memref<50x4096x128xf32, #tpu.memory_space<hbm>> -> memref<1x128x128xf32, #tpu.memory_space<hbm>>
    %dma_wait3A_78 = tpu.memref_squeeze %dma_wait3A_77 : memref<1x128x128xf32, #tpu.memory_space<hbm>> -> memref<128x128xf32, #tpu.memory_space<hbm>>
    %dma_wait3A_79 = arith.constant 0 : i32
    %dma_wait3A_80 = arith.constant 0 : i32
    %dma_wait3A_81 = tpu.memref_slice %arg6[%dma_wait3A, %dma_wait3A_79, %dma_wait3A_80] : memref<5x128x128xf32, #tpu.memory_space<vmem>> -> memref<1x128x128xf32, #tpu.memory_space<vmem>>
    %dma_wait3A_82 = tpu.memref_squeeze %dma_wait3A_81 : memref<1x128x128xf32, #tpu.memory_space<vmem>> -> memref<128x128xf32, #tpu.memory_space<vmem>>
    tpu.wait_dma2 semaphore(%arg13 : memref<!tpu.dma_semaphore, #tpu.memory_space<semaphore_mem>>) src(%dma_wait3A_82 : memref<128x128xf32, #tpu.memory_space<vmem>>) dst(%dma_wait3A_78 : memref<128x128xf32, #tpu.memory_space<hbm>>)
    %dma_wait3A_83 = arith.constant 1 : i32
    %dma_wait3A_84 = arith.constant 46 : i32
    %dma_wait3A_85 = arith.constant 0 : i32
    %dma_wait3A_86 = arith.constant 0 : i32
    %dma_wait3A_87 = tpu.memref_slice %arg6[%dma_wait3A_83, %dma_wait3A_85, %dma_wait3A_86] : memref<5x128x128xf32, #tpu.memory_space<vmem>> -> memref<1x128x128xf32, #tpu.memory_space<vmem>>
    %dma_wait3A_88 = tpu.memref_squeeze %dma_wait3A_87 : memref<1x128x128xf32, #tpu.memory_space<vmem>> -> memref<128x128xf32, #tpu.memory_space<vmem>>
    %dma_wait3A_89 = arith.constant 0 : i32
    %dma_wait3A_90 = tpu.memref_slice %arg4[%dma_wait3A_84, %mul3A_4, %dma_wait3A_89] : memref<50x4096x128xf32, #tpu.memory_space<hbm>> -> memref<1x128x128xf32, #tpu.memory_space<hbm>>
    %dma_wait3A_91 = tpu.memref_squeeze %dma_wait3A_90 : memref<1x128x128xf32, #tpu.memory_space<hbm>> -> memref<128x128xf32, #tpu.memory_space<hbm>>
    %dma_wait3A_92 = arith.constant 0 : i32
    %dma_wait3A_93 = tpu.memref_slice %arg4[%dma_wait3A_84, %mul3A_4, %dma_wait3A_92] : memref<50x4096x128xf32, #tpu.memory_space<hbm>> -> memref<1x128x128xf32, #tpu.memory_space<hbm>>
    %dma_wait3A_94 = tpu.memref_squeeze %dma_wait3A_93 : memref<1x128x128xf32, #tpu.memory_space<hbm>> -> memref<128x128xf32, #tpu.memory_space<hbm>>
    %dma_wait3A_95 = arith.constant 0 : i32
    %dma_wait3A_96 = arith.constant 0 : i32
    %dma_wait3A_97 = tpu.memref_slice %arg6[%dma_wait3A_83, %dma_wait3A_95, %dma_wait3A_96] : memref<5x128x128xf32, #tpu.memory_space<vmem>> -> memref<1x128x128xf32, #tpu.memory_space<vmem>>
    %dma_wait3A_98 = tpu.memref_squeeze %dma_wait3A_97 : memref<1x128x128xf32, #tpu.memory_space<vmem>> -> memref<128x128xf32, #tpu.memory_space<vmem>>
    tpu.wait_dma2 semaphore(%arg14 : memref<!tpu.dma_semaphore, #tpu.memory_space<semaphore_mem>>) src(%dma_wait3A_98 : memref<128x128xf32, #tpu.memory_space<vmem>>) dst(%dma_wait3A_94 : memref<128x128xf32, #tpu.memory_space<hbm>>)
    %dma_wait3A_99 = arith.constant 2 : i32
    %dma_wait3A_100 = arith.constant 47 : i32
    %dma_wait3A_101 = arith.constant 0 : i32
    %dma_wait3A_102 = arith.constant 0 : i32
    %dma_wait3A_103 = tpu.memref_slice %arg6[%dma_wait3A_99, %dma_wait3A_101, %dma_wait3A_102] : memref<5x128x128xf32, #tpu.memory_space<vmem>> -> memref<1x128x128xf32, #tpu.memory_space<vmem>>
    %dma_wait3A_104 = tpu.memref_squeeze %dma_wait3A_103 : memref<1x128x128xf32, #tpu.memory_space<vmem>> -> memref<128x128xf32, #tpu.memory_space<vmem>>
    %dma_wait3A_105 = arith.constant 0 : i32
    %dma_wait3A_106 = tpu.memref_slice %arg4[%dma_wait3A_100, %mul3A_4, %dma_wait3A_105] : memref<50x4096x128xf32, #tpu.memory_space<hbm>> -> memref<1x128x128xf32, #tpu.memory_space<hbm>>
    %dma_wait3A_107 = tpu.memref_squeeze %dma_wait3A_106 : memref<1x128x128xf32, #tpu.memory_space<hbm>> -> memref<128x128xf32, #tpu.memory_space<hbm>>
    %dma_wait3A_108 = arith.constant 0 : i32
    %dma_wait3A_109 = tpu.memref_slice %arg4[%dma_wait3A_100, %mul3A_4, %dma_wait3A_108] : memref<50x4096x128xf32, #tpu.memory_space<hbm>> -> memref<1x128x128xf32, #tpu.memory_space<hbm>>
    %dma_wait3A_110 = tpu.memref_squeeze %dma_wait3A_109 : memref<1x128x128xf32, #tpu.memory_space<hbm>> -> memref<128x128xf32, #tpu.memory_space<hbm>>
    %dma_wait3A_111 = arith.constant 0 : i32
    %dma_wait3A_112 = arith.constant 0 : i32
    %dma_wait3A_113 = tpu.memref_slice %arg6[%dma_wait3A_99, %dma_wait3A_111, %dma_wait3A_112] : memref<5x128x128xf32, #tpu.memory_space<vmem>> -> memref<1x128x128xf32, #tpu.memory_space<vmem>>
    %dma_wait3A_114 = tpu.memref_squeeze %dma_wait3A_113 : memref<1x128x128xf32, #tpu.memory_space<vmem>> -> memref<128x128xf32, #tpu.memory_space<vmem>>
    tpu.wait_dma2 semaphore(%arg15 : memref<!tpu.dma_semaphore, #tpu.memory_space<semaphore_mem>>) src(%dma_wait3A_114 : memref<128x128xf32, #tpu.memory_space<vmem>>) dst(%dma_wait3A_110 : memref<128x128xf32, #tpu.memory_space<hbm>>)
    %dma_wait3A_115 = arith.constant 3 : i32
    %dma_wait3A_116 = arith.constant 48 : i32
    %dma_wait3A_117 = arith.constant 0 : i32
    %dma_wait3A_118 = arith.constant 0 : i32
    %dma_wait3A_119 = tpu.memref_slice %arg6[%dma_wait3A_115, %dma_wait3A_117, %dma_wait3A_118] : memref<5x128x128xf32, #tpu.memory_space<vmem>> -> memref<1x128x128xf32, #tpu.memory_space<vmem>>
    %dma_wait3A_120 = tpu.memref_squeeze %dma_wait3A_119 : memref<1x128x128xf32, #tpu.memory_space<vmem>> -> memref<128x128xf32, #tpu.memory_space<vmem>>
    %dma_wait3A_121 = arith.constant 0 : i32
    %dma_wait3A_122 = tpu.memref_slice %arg4[%dma_wait3A_116, %mul3A_4, %dma_wait3A_121] : memref<50x4096x128xf32, #tpu.memory_space<hbm>> -> memref<1x128x128xf32, #tpu.memory_space<hbm>>
    %dma_wait3A_123 = tpu.memref_squeeze %dma_wait3A_122 : memref<1x128x128xf32, #tpu.memory_space<hbm>> -> memref<128x128xf32, #tpu.memory_space<hbm>>
    %dma_wait3A_124 = arith.constant 0 : i32
    %dma_wait3A_125 = tpu.memref_slice %arg4[%dma_wait3A_116, %mul3A_4, %dma_wait3A_124] : memref<50x4096x128xf32, #tpu.memory_space<hbm>> -> memref<1x128x128xf32, #tpu.memory_space<hbm>>
    %dma_wait3A_126 = tpu.memref_squeeze %dma_wait3A_125 : memref<1x128x128xf32, #tpu.memory_space<hbm>> -> memref<128x128xf32, #tpu.memory_space<hbm>>
    %dma_wait3A_127 = arith.constant 0 : i32
    %dma_wait3A_128 = arith.constant 0 : i32
    %dma_wait3A_129 = tpu.memref_slice %arg6[%dma_wait3A_115, %dma_wait3A_127, %dma_wait3A_128] : memref<5x128x128xf32, #tpu.memory_space<vmem>> -> memref<1x128x128xf32, #tpu.memory_space<vmem>>
    %dma_wait3A_130 = tpu.memref_squeeze %dma_wait3A_129 : memref<1x128x128xf32, #tpu.memory_space<vmem>> -> memref<128x128xf32, #tpu.memory_space<vmem>>
    tpu.wait_dma2 semaphore(%arg16 : memref<!tpu.dma_semaphore, #tpu.memory_space<semaphore_mem>>) src(%dma_wait3A_130 : memref<128x128xf32, #tpu.memory_space<vmem>>) dst(%dma_wait3A_126 : memref<128x128xf32, #tpu.memory_space<hbm>>)
    %dma_wait3A_131 = arith.constant 4 : i32
    %dma_wait3A_132 = arith.constant 49 : i32
    %dma_wait3A_133 = arith.constant 0 : i32
    %dma_wait3A_134 = arith.constant 0 : i32
    %dma_wait3A_135 = tpu.memref_slice %arg6[%dma_wait3A_131, %dma_wait3A_133, %dma_wait3A_134] : memref<5x128x128xf32, #tpu.memory_space<vmem>> -> memref<1x128x128xf32, #tpu.memory_space<vmem>>
    %dma_wait3A_136 = tpu.memref_squeeze %dma_wait3A_135 : memref<1x128x128xf32, #tpu.memory_space<vmem>> -> memref<128x128xf32, #tpu.memory_space<vmem>>
    %dma_wait3A_137 = arith.constant 0 : i32
    %dma_wait3A_138 = tpu.memref_slice %arg4[%dma_wait3A_132, %mul3A_4, %dma_wait3A_137] : memref<50x4096x128xf32, #tpu.memory_space<hbm>> -> memref<1x128x128xf32, #tpu.memory_space<hbm>>
    %dma_wait3A_139 = tpu.memref_squeeze %dma_wait3A_138 : memref<1x128x128xf32, #tpu.memory_space<hbm>> -> memref<128x128xf32, #tpu.memory_space<hbm>>
    %dma_wait3A_140 = arith.constant 0 : i32
    %dma_wait3A_141 = tpu.memref_slice %arg4[%dma_wait3A_132, %mul3A_4, %dma_wait3A_140] : memref<50x4096x128xf32, #tpu.memory_space<hbm>> -> memref<1x128x128xf32, #tpu.memory_space<hbm>>
    %dma_wait3A_142 = tpu.memref_squeeze %dma_wait3A_141 : memref<1x128x128xf32, #tpu.memory_space<hbm>> -> memref<128x128xf32, #tpu.memory_space<hbm>>
    %dma_wait3A_143 = arith.constant 0 : i32
    %dma_wait3A_144 = arith.constant 0 : i32
    %dma_wait3A_145 = tpu.memref_slice %arg6[%dma_wait3A_131, %dma_wait3A_143, %dma_wait3A_144] : memref<5x128x128xf32, #tpu.memory_space<vmem>> -> memref<1x128x128xf32, #tpu.memory_space<vmem>>
    %dma_wait3A_146 = tpu.memref_squeeze %dma_wait3A_145 : memref<1x128x128xf32, #tpu.memory_space<vmem>> -> memref<128x128xf32, #tpu.memory_space<vmem>>
    tpu.wait_dma2 semaphore(%arg17 : memref<!tpu.dma_semaphore, #tpu.memory_space<semaphore_mem>>) src(%dma_wait3A_146 : memref<128x128xf32, #tpu.memory_space<vmem>>) dst(%dma_wait3A_142 : memref<128x128xf32, #tpu.memory_space<hbm>>)
    return
  }
}

</mosaic_0001>

<sc_bundles>
// kernel: kernel.3.cloned.1.call-start
scs
__scs_entry_jumppad:
0x0: {  	(pc) =	sbr.rel $0x88, $3  }
0x1: {  	(tag) =	ssettag $0x0;
	lr =	simm.s32 $0x1  }
0x2: {  	[smem:$0x3F9F] =	sst lr;
	_ =	strace $0xD0000000  }
0x3: {  	_ = 	snop  }
0x4: {  	_ = 	snop  }
0x5: {  	_ = 	snop  }
0x6: {  	_ = 	snop  }
0x7: {  	_ = 	snop  }
__scs_overlays_trampoline_lowered:
0x8: {  	[smem:$0x3FAE] =	sst s0  }
0x9: {  	[smem:$0x3FAF] =	sst s1  }
0xa: {  	[smem:$0x3FB0] =	sst s2  }
0xb: {  	[smem:$0x3FB1] =	sst s3  }
0xc: {  	[smem:$0x3FB2] =	sst s4  }
0xd: {  	[smem:$0x3FB3] =	sst s5  }
0xe: {  	[smem:$0x3FB4] =	sst s6  }
0xf: {  	[smem:$0x3FB5] =	sst s7  }
0x10: {  	[smem:$0x3FB6] =	sst s8  }
0x11: {  	[smem:$0x3FB7] =	sst s9;
	s0 =	simm.s32 @!p0 $0x0  }
0x12: {  	s1 =	sld [smem:$0x3F9D];
	s0 =	simm.s32 @p0 $0x1  }
0x13: {  	[smem:$0x3FB8] =	sst s0;
	s0 =	simm.s32 @!p1 $0x0  }
0x14: {  	s2 =	sld [smem:$0x3F9C];
	s0 =	simm.s32 @p1 $0x1  }
0x15: {  	[smem:$0x3FB9] =	sst s0;
	s0 =	simm.s32 @!p2 $0x0  }
0x16: {  	s3 =	sld [smem:$0x3FDB];
	s0 =	simm.s32 @p2 $0x1  }
0x17: {  	s4 =	simm.s32 $0x1BF5;
	[smem:$0x3FBB] =	sst s0  }
0x18: {  	s0 =	sld [smem:$0x3F9E];
	_ =	swait.ge [sflag:s4], $0x0  }
0x19: {  	s7 =	sld [smem:$0x3F9F]  }
0x1a: {  	s8 =	sadd.s32 $0xFFFFE003, lr  }
0x1b: {  	s9 =	sadd.s32 $0xFFFFFEF7, lr;
	s5 =	simm.s32 $0xFFFFFFFF;
	p2 =	slt.u32 s8, $0xFFFFF086  }
0x1c: {  	p1 =	slt.u32 s9, $0xF7A;
	s5 =	simm.s32 @!p2 $0x0  }
0x1d: {  	s5 =	simm.s32 @p1 $0x1;
	p0 =	seq.s32 s7, s2  }
0x1e: {  	s7 =	smul.u32 @!p0 $0xF7A, s2;
	p2 =	seq.s32 @!p0 s5, $0x0  }
0x1f: {  	s9 =	smul.u32 $0xF7A, s1;
	s8 =	simm.s32 @!p0 $0x1BF5;
	p2 =	por !p2, p0  }
0x20: {  	[sflag:s8] =	ssyncset.s32 @!p0 $0xFFFFF086;
	s6 =	sadd.s32 @!p0 s3, s7;
	s7 =	simm.s32 @!p0 $0x108  }
0x21: {  	s3 =	sadd.s32 s3, s9;
	s6 =	sadd.s32 @!p0 $0x88, s6;
	s7 =	simm.s32 @p2 $0x1082  }
0x22: {  	[simem:s7], [sflag:s8] =	dma.local @!p0 [hbm:s6], $0xF7A  }
0x23: {  	s9 =	sor.u32 $0xD0000000, s2;
	s6 =	simm.s32 $0x108;
	_ =	swait.ge @!p0 [sflag:s8], $0x0  }
0x24: {  	s3 =	sadd.s32 $0x88, s3;
	s6 =	simm.s32 @!p1 $0x1082;
	[sflag:s4] =	ssyncset.s32 $0xFFFFF086  }
0x25: {  	[simem:s6], [sflag:s4] =	dma.local [hbm:s3], $0xF7A  }
0x26: {  	[smem:$0x3F9F] =	sst s1;
	(tag) =	ssettag s2;
	_ =	strace s9  }
0x27: {  	s1 =	sld [smem:$0x3FAF]  }
0x28: {  	s2 =	sld [smem:$0x3FB0]  }
0x29: {  	s4 =	sld [smem:$0x3FB2]  }
0x2a: {  	p0 =	seq.s32 s5, $0x0;
	s5 =	sld [smem:$0x3FB3]  }
0x2b: {  	s6 =	sld [smem:$0x3FB4]  }
0x2c: {  	s7 =	sld [smem:$0x3FB5]  }
0x2d: {  	s3 =	simm.s32 $0x108;
	s8 =	sld [smem:$0x3FB6]  }
0x2e: {  	s3 =	simm.s32 @!p0 $0x1082;
	s9 =	sld [smem:$0x3FB7]  }
0x2f: {  	lr =	sadd.s32 s0, s3;
	s0 =	sld [smem:$0x3FAE]  }
0x30: {  	s3 =	sld [smem:$0x3FB1]  }
0x31: {  	[smem:$0x3FBA] =	sst s10  }
0x32: {  	s10 =	sld [smem:$0x3FB8];
	_ =	sdelay $0x3  }
0x33: {  	p0 =	seq.s32 s10, $0x1;
	s10 =	sld [smem:$0x3FBA];
	_ =	sdelay $0x3  }
0x34: {  	[smem:$0x3FBA] =	sst s10  }
0x35: {  	s10 =	sld [smem:$0x3FB9];
	_ =	sdelay $0x3  }
0x36: {  	p1 =	seq.s32 s10, $0x1;
	s10 =	sld [smem:$0x3FBA];
	_ =	sdelay $0x3  }
0x37: {  	[smem:$0x3FBA] =	sst s10  }
0x38: {  	s10 =	sld [smem:$0x3FBB]  }
0x39: {  	_ = 	snop;
	(pc) =	sbr.ind lr, $3  }
0x3a: {  	_ = 	snop  }
0x3b: {  	_ = 	snop  }
0x3c: {  	p2 =	seq.s32 s10, $0x1;
	s10 =	sld [smem:$0x3FBA]  }
0x3d: {  	_ =	shalt  }
0x3e: {  	_ =	shalt  }
0x3f: {  	_ =	shalt  }
0x40: {  	_ =	shalt  }
0x41: {  	_ =	shalt  }
0x42: {  	_ =	shalt  }
0x43: {  	_ =	shalt  }
0x44: {  	_ =	shalt  }
0x45: {  	_ =	shalt  }
0x46: {  	_ =	shalt  }
0x47: {  	_ =	shalt  }
0x48: {  	_ =	shalt  }
0x49: {  	_ =	shalt  }
0x4a: {  	_ =	shalt  }
0x4b: {  	_ =	shalt  }
0x4c: {  	_ =	shalt  }
0x4d: {  	_ =	shalt  }
0x4e: {  	_ =	shalt  }
0x4f: {  	_ =	shalt  }
0x50: {  	_ =	shalt  }
0x51: {  	_ =	shalt  }
0x52: {  	_ =	shalt  }
0x53: {  	_ =	shalt  }
0x54: {  	_ =	shalt  }
0x55: {  	_ =	shalt  }
0x56: {  	_ =	shalt  }
0x57: {  	_ =	shalt  }
0x58: {  	_ =	shalt  }
0x59: {  	_ =	shalt  }
0x5a: {  	_ =	shalt  }
0x5b: {  	_ =	shalt  }
0x5c: {  	_ =	shalt  }
0x5d: {  	_ =	shalt  }
0x5e: {  	_ =	shalt  }
0x5f: {  	_ =	shalt  }
0x60: {  	_ =	shalt  }
0x61: {  	_ =	shalt  }
0x62: {  	_ =	shalt  }
0x63: {  	_ =	shalt  }
0x64: {  	_ =	shalt  }
0x65: {  	_ =	shalt  }
0x66: {  	_ =	shalt  }
0x67: {  	_ =	shalt  }
0x68: {  	_ =	shalt  }
0x69: {  	_ =	shalt  }
0x6a: {  	_ =	shalt  }
0x6b: {  	_ =	shalt  }
0x6c: {  	_ =	shalt  }
0x6d: {  	_ =	shalt  }
0x6e: {  	_ =	shalt  }
0x6f: {  	_ =	shalt  }
0x70: {  	_ =	shalt  }
0x71: {  	_ =	shalt  }
0x72: {  	_ =	shalt  }
0x73: {  	_ =	shalt  }
0x74: {  	_ =	shalt  }
0x75: {  	_ =	shalt  }
0x76: {  	_ =	shalt  }
0x77: {  	_ =	shalt  }
0x78: {  	_ =	shalt  }
0x79: {  	_ =	shalt  }
0x7a: {  	_ =	shalt  }
0x7b: {  	_ =	shalt  }
0x7c: {  	_ =	shalt  }
0x7d: {  	_ =	shalt  }
0x7e: {  	_ =	shalt  }
0x7f: {  	_ =	shalt  }
0x80: {  	_ =	shalt  }
0x81: {  	_ =	shalt  }
0x82: {  	_ =	shalt  }
0x83: {  	_ =	shalt  }
0x84: {  	_ =	shalt  }
0x85: {  	_ =	shalt  }
0x86: {  	_ =	shalt  }
0x87: {  	_ =	shalt  }
.Lfunc_end0:
.L_simem_size_0:
called_computation_lowered:
.L_overlay_start_0:
0x88: {  	s2 =	sld [smem:$0x3FD9]  }
0x89: {  	s3 =	sld [smem:$0x3FFE];
	_ =	sdelay $0x1  }
0x8a: {  	s1 =	srdreg.scid  }
0x8b: {  	s0 =	sand.u32 $0x1, s1  }
0x8c: {  	s17 =	sshll.u32 s0, $0xA;
	s2 =	sadd.s32 s3, s2  }
0x8d: {  	s2 =	sadd.s32 s2, s17  }
0x8e: {  	[smem:$0x3FC6] =	sst s2  }
0x8f: {  	_ = 	snop  }
0x90: {  	s2 =	sld [smem:$0x3FD0];
	(tm) =	ssettm $0x1  }
0x91: {  	s18 =	sld [smem:$0x3FFB];
	_ =	sdelay $0x3  }
0x92: {  	_ =	strace s18  }
0x93: {  	s3 =	sld [smem:$0x3FFC];
	_ =	sdelay $0x3  }
0x94: {  	_ =	strace s3  }
0x95: {  	s3 =	sld [smem:$0x3FFD];
	_ =	sdelay $0x3  }
0x96: {  	_ =	strace s3  }
0x97: {  	_ =	strace $0x8FFFFFFF  }
0x98: {  	s19 =	sld [smem:$0x3FDB];
	_ =	sdelay $0x1  }
0x99: {  	s4 =	simm.s32 $_scs_section_size  }
0x9a: {  	s5 =	simm.s32 $_size__tile_overlayer_lowered;
	s6 =	simm.s32 $_tile_overlayer_lowered  }
0x9b: {  	s22 =	simm.s32 $0x1BFF;
	s21 =	sshll.u32 s6, $0x1;
	s3 =	sadd.s32 s4, s19  }
0x9c: {  	s7 =	simm.s32 $0x0;
	s20 =	sshll.u32 s5, $0x1;
	s5 =	sadd.s32 s21, s3  }
0x9d: {  	[timem:s7], [sflag:s22] =	dma.local [hbm:s5], s20  }
0x9e: {  	_ =	swait.ge [sflag:s22], s20  }
0x9f: {  	s4 =	ssub.s32 $0x0, s20;
	[sflag:s22] =	ssyncset.done $0x0  }
0xa0: {  	[sflag:s22] =	ssyncadd.s32 s4;
	_ =	sdelay $0x1  }
0xa1: {  	s23 =	simm.s32 $0x1B8B  }
0xa2: {  	_ =	swait.ge [sflag:s23], $0x1  }
0xa3: {  	[sflag:s23] =	ssyncset.done $0x0  }
0xa4: {  	s25 =	simm.s32 $0x1B8E;
	s24 =	sld [smem:$0x3FFE];
	[sflag:s23] =	ssyncadd.s32 $0xFFFFFFFF  }
0xa5: {  	s26 =	simm.s32 $execute0_lowered;
	[smem:$0x3FD2] =	sst s25  }
0xa6: {  	s5 =	sshll.u32 s26, $0x1;
	_ =	strace $0x80000046;
	[dreg:$0x1] =	wrdreg $0xFFFFFFFF  }
0xa7: {  	s28 =	simm.s32 $_size_execute0_lowered;
	s3 =	sadd.s32 s3, s5;
	[dreg:$0x0] =	wrdreg $0x0  }
0xa8: {  	s5 =	sshll.u32 s28, $0x1;
	[dreg:$0x2] =	wrdreg s3  }
0xa9: {  	[dreg:$0x3] =	wrdreg s5  }
0xaa: {  	[dreg:$0x4] =	wrdreg $0xC0  }
0xab: {  	_ =	task [dreg:s7], $0x5FFFF  }
0xac: {  	[dreg:$0x1] =	wrdreg $0xFFFFFFFF  }
0xad: {  	[dreg:$0x0] =	wrdreg $0x60  }
0xae: {  	[dreg:$0x2] =	wrdreg s24  }
0xaf: {  	[dreg:$0x3] =	wrdreg s2  }
0xb0: {  	[dreg:$0x4] =	wrdreg $0x15C000  }
0xb1: {  	[dreg:$0x5] =	wrdreg $0x9  }
0xb2: {  	_ =	task.clear_ibuf [dreg:s7], $0x6FFFF;
	_ =	strace $0x90000046  }
0xb3: {  	s29 =	simm.s32 $0x9;
	_ =	strace $0x80000048  }
0xb4: {  	_ =	swait.ge [sflag:s29], $0x1  }
0xb5: {  	[sflag:s29] =	ssyncadd.s32 $0xFFFFFFFF  }
0xb6: {  	_ =	strace $0x90000048  }
0xb7: {  	_ =	sfence  }
0xb8: {  	s30 =	sld [smem:$0x0];
	_ =	sdelay $0x2  }
0xb9: {  	s31 =	sshll.u32 s1, $0xD;
	s1 =	sshrl.u32 s1, $0x2  }
0xba: {  	s3 =	sand.u32 $0x4000, s31;
	s1 =	sadd.s32 s1, s30  }
0xbb: {  	s0 =	sor.u32 s3, s0;
	s1 =	sshll.u32 s1, $0x11  }
0xbc: {  	s0 =	sor.u32 s1, s0  }
0xbd: {  	s0 =	sadd.s32 $0x8F2B, s0  }
0xbe: {  	[sflag:s0] =	ssyncadd.remote.s32 $0x1  }
0xbf: {  	_ =	sfence.sel $0xFFFF  }
0xc0: {  	[dreg:$0x0] =	wrdreg $0xFFFFFFFF;
	(pc) =	sbr.abs _section_cstart, $3  }
0xc1: {  	[dreg:$0x1] =	wrdreg $0xFFFFFFFF  }
0xc2: {  	_ =	task.clear_ibuf [dreg:s7], $0x2FFFF;
	_ =	strace $0x9FFFFFFF  }
0xc3: {  	(tm) =	ssettm $0x7FFFFFFF  }
tec
execute0_lowered:
.L_overlay_start_1:
0x0: {  	(tag) =	ssettag $0x1  }
0x1: {  	s0 =	rddreg [dreg:$0x0];
	s1 =	srdreg.scid  }
0x2: {  	s4 =	stileid.u32;
	s2 =	rddreg [dreg:$0x2]  }
0x3: {  	s3 =	simm.s32 $0x0;
	s13 =	simm.s32 $0xB;
	s14 =	simm.s32 $0x80  }
0x4: {  	s15 =	simm.s32 $0x1C00;
	s16 =	simm.s32 $0x5C00;
	s18 =	simm.s32 $0x9C00  }
0x5: {  	s20 =	simm.s32 $0xDC00;
	s22 =	simm.s32 $0x11C00;
	s23 =	simm.s32 $0x1  }
0x6: {  	s28 =	simm.s32 $0x5;
	s29 =	simm.s32 $0x6;
	s30 =	simm.s32 $0x7  }
0x7: {  	s31 =	simm.s32 $0x8;
	s17 =	simm.s32 $0x0;
	s1 =	sand.u32 $0x1, s1  }
0x8: {  	s5 =	sshll.u32 s4, $0x1;
	[smem:$0x7FF] =	sst s3;
	s7 =	sshll.u32 s4, $0xF  }
0x9: {  	s5 =	sor.u32 s1, s5;
	s24 =	ssub.s32 $0x2, s1;
	s1 =	sshll.u32 s1, $0xE  }
0xa: {  	p0 =	sne.s32 s4, $0x0;
	_ =	strace $0x80000047;
	s1 =	sor.u32 s1, s7  }
0xb: {  	s5 =	smul.u32 $0x380, s5;
	s6 =	sshrl.u32 s24, $0x1;
	s25 =	sor.u32 $0x200000, s1  }
0xc: {  	s9 =	sor.u32 $0x180000, s1;
	s7 =	sshrl.u32 s1, $0x3;
	s26 =	sor.u32 $0x100000, s1  }
0xd: {  	s1 =	sor.u32 $0x80000, s1;
	s5 =	sadd.s32 s5, s0;
	s0 =	sadd.s32 $0x400, s0  }
0xe: {  	s8 =	sshrl.u32 s25, $0x3;
	s9 =	sshrl.u32 s9, $0x3;
	s10 =	sshrl.u32 s26, $0x3  }
.Ltmp0:
0xf: {  	s11 =	sshrl.u32 s1, $0x3;
	s25 =	simm.s32 $0x3;
	(pc) =	sbr.rel .LBB2_1-.Ltmp0, $4  }
0x10: {  	[dreg:$0x4] =	wrdreg s0;
	s0 =	ssub.s32 s24, s6;
	s5 =	sadd.s32 $0x4400, s5  }
0x11: {  	s26 =	simm.s32 $0x4;
	[dreg:$0x5] =	wrdreg s5;
	s0 =	smax.u32 s0, $0x1  }
0x12: {  	s1 =	simm.s32 $0x9;
	[dreg:$0x6] =	wrdreg s0;
	s0 =	sshrl.u32 @!p0 s2, $0x3  }
0x13: {  	s24 =	simm.s32 $0x2;
	[dreg:$0x7] =	wrdreg s0;
	s0 =	simm.s32 $0xA  }
.LBB2_4:
0x14: {  	_ =	swait.ge [sflag:s30], $0x4000  }
0x15: {  	[sflag:s30] =	ssyncset.done $0x0  }
0x16: {  	[sflag:s30] =	ssyncadd.s32 $0xFFFFC000  }
0x17: {  	_ =	swait.ge [sflag:s31], $0x4000  }
0x18: {  	[sflag:s31] =	ssyncset.done $0x0  }
0x19: {  	[sflag:s31] =	ssyncadd.s32 $0xFFFFC000  }
0x1a: {  	_ =	swait.ge [sflag:s1], $0x4000  }
0x1b: {  	[sflag:s1] =	ssyncset.done $0x0  }
0x1c: {  	[sflag:s1] =	ssyncadd.s32 $0xFFFFC000  }
0x1d: {  	_ =	swait.ge [sflag:s0], $0x4000  }
0x1e: {  	s17 =	sadd.s32 $0x1, s17;
	s4 =	rddreg [dreg:$0x6]  }
0x1f: {  	p1 =	sne.s32 s17, s4  }
.Ltmp1:
0x20: {  	_ = 	snop;
	(pc) =	sbr.rel @!p1 .LBB2_5-.Ltmp1, $3  }
0x21: {  	_ =	sdelay $0x1  }
0x22: {  	[sflag:s0] =	ssyncset.done $0x0  }
0x23: {  	[sflag:s0] =	ssyncadd.s32 $0xFFFFC000  }
.LBB2_1:
0x24: {  	s5 =	rddreg [dreg:$0x4]  }
0x25: {  	s4 =	simm.s32 @!p0 $0x1C0B;
	s6 =	rddreg [dreg:$0x7]  }
0x26: {  	[spmem:s6], [sflag:s4] =	dma.local @!p0 [hbm:s5], $0x3E90  }
0x27: {  	s4 =	simm.s32 @!p0 $0xB  }
0x28: {  	_ =	swait.ge @!p0 [sflag:s4], $0x3E90  }
0x29: {  	[sflag:s4] =	ssyncset.done @!p0 $0x0  }
0x2a: {  	s6 =	rddreg [dreg:$0x5];
	[sflag:s4] =	ssyncadd.s32 @!p0 $0xFFFFC170  }
0x2b: {  	[tilespmem:s3], [sflag:$0xB] =	stream.linear.gather [hbm4b:s6+s3], $0x1900, $0x38;
	[tilespmem:$0x17B48] =	vst v63  }
0x2c: {  	_ =	swait.ge [sflag:s13], $0x1900  }
0x2d: {  	[sflag:s13] =	ssyncset.done $0x0  }
0x2e: {  	[sflag:s13] =	ssyncadd.s32 $0xFFFFE700  }
0x2f: {  	[bflag:$0x0] =	sbarrier.arrive $0xFFFF  }
0x30: {  	[tilespmem:s15], [sflag:$0x1] =	stream.indirect.gather [spmem:s2], $0x80, s3, s14, $0xb8;
	[tilespmem:$0x17B48] =	vst v63  }
0x31: {  	_ = 	snop  }
0x32: {  	[tilespmem:s16], [sflag:$0x2] =	stream.indirect.gather [spmem:s2], $0x80, s14, s14, $0xb8;
	[tilespmem:$0x17B48] =	vst v63  }
0x33: {  	s12 =	simm.s32 $0x100  }
0x34: {  	[tilespmem:s18], [sflag:$0x3] =	stream.indirect.gather [spmem:s2], $0x80, s12, s14, $0xb8;
	[tilespmem:$0x17B48] =	vst v63  }
0x35: {  	s19 =	simm.s32 $0x180  }
0x36: {  	[tilespmem:s20], [sflag:$0x4] =	stream.indirect.gather [spmem:s2], $0x80, s19, s14, $0xb8;
	[tilespmem:$0x17B48] =	vst v63  }
0x37: {  	s21 =	simm.s32 $0x200  }
0x38: {  	[tilespmem:s22], [sflag:$0x5] =	stream.indirect.gather [spmem:s2], $0x80, s21, s14, $0xb8;
	[tilespmem:$0x17B48] =	vst v63  }
0x39: {  	s4 =	simm.s32 $0x0;
	s19 =	simm.s32 $0xFFFFFFFC;
	s21 =	rddreg [dreg:$0x1]  }
.LBB2_2:
0x3a: {  	_ =	swait.ge [sflag:s23], $0x4000  }
0x3b: {  	[sflag:s23] =	ssyncset.done $0x0  }
0x3c: {  	s5 =	sadd.s32 s21, s7;
	p1 =	sgt.u32 s19, $0x2C;
	[sflag:s23] =	ssyncadd.s32 $0xFFFFC000  }
0x3d: {  	[hbm4b:s5+s3] =	stream.linear.scatter [tilespmem:s15], [sflag:$0x6], $0x4000, $0x38;
	[tilespmem:$0x17B48] =	vst v63  }
0x3e: {  	s5 =	simm.s32 @!p1 $0x7  }
0x3f: {  	_ =	swait.ge @!p1 [sflag:s5], $0x4000  }
0x40: {  	[sflag:s5] =	ssyncset.done @!p1 $0x0  }
0x41: {  	[sflag:s5] =	ssyncadd.s32 @!p1 $0xFFFFC000;
	s5 =	sshra.s32 @!p1 s4, $0x2  }
0x42: {  	s6 =	simm.s32 @!p1 $0x80;
	s12 =	simm.s32 @!p1 $0x5C00;
	s5 =	sadd.s32 @!p1 $0x80, s5  }
0x43: {  	[tilespmem:s12], [sflag:$0x2] =	stream.indirect.gather @!p1 [spmem:s2], $0x80, s5, s6, $0xb8;
	[tilespmem:$0x17B48] =	vst v63  }
0x44: {  	s6 =	sadd.s32 $0x1, s19;
	_ =	swait.ge [sflag:s24], $0x4000  }
0x45: {  	p1 =	sgt.u32 s6, $0x2C;
	[sflag:s24] =	ssyncset.done $0x0  }
0x46: {  	s12 =	sadd.s32 s21, s11;
	s5 =	simm.s32 @!p1 $0x8;
	[sflag:s24] =	ssyncadd.s32 $0xFFFFC000  }
0x47: {  	[hbm4b:s12+s3] =	stream.linear.scatter [tilespmem:s16], [sflag:$0x7], $0x4000, $0x38;
	[tilespmem:$0x17B48] =	vst v63  }
0x48: {  	_ =	swait.ge @!p1 [sflag:s5], $0x4000  }
0x49: {  	[sflag:s5] =	ssyncset.done @!p1 $0x0  }
0x4a: {  	[sflag:s5] =	ssyncadd.s32 @!p1 $0xFFFFC000;
	s5 =	sshra.s32 @!p1 s4, $0x2  }
0x4b: {  	s6 =	simm.s32 @!p1 $0x80;
	s12 =	simm.s32 @!p1 $0x9C00;
	s5 =	sadd.s32 @!p1 $0x100, s5  }
0x4c: {  	[tilespmem:s12], [sflag:$0x3] =	stream.indirect.gather @!p1 [spmem:s2], $0x80, s5, s6, $0xb8;
	[tilespmem:$0x17B48] =	vst v63  }
0x4d: {  	s6 =	sadd.s32 $0x2, s19;
	_ =	swait.ge [sflag:s25], $0x4000  }
0x4e: {  	p1 =	sgt.u32 s6, $0x2C;
	[sflag:s25] =	ssyncset.done $0x0  }
0x4f: {  	s12 =	sadd.s32 s21, s10;
	s5 =	simm.s32 @!p1 $0x9;
	[sflag:s25] =	ssyncadd.s32 $0xFFFFC000  }
0x50: {  	[hbm4b:s12+s3] =	stream.linear.scatter [tilespmem:s18], [sflag:$0x8], $0x4000, $0x38;
	[tilespmem:$0x17B48] =	vst v63  }
0x51: {  	_ =	swait.ge @!p1 [sflag:s5], $0x4000  }
0x52: {  	[sflag:s5] =	ssyncset.done @!p1 $0x0  }
0x53: {  	[sflag:s5] =	ssyncadd.s32 @!p1 $0xFFFFC000;
	s5 =	sshra.s32 @!p1 s4, $0x2  }
0x54: {  	s6 =	simm.s32 @!p1 $0x80;
	s12 =	simm.s32 @!p1 $0xDC00;
	s5 =	sadd.s32 @!p1 $0x180, s5  }
0x55: {  	[tilespmem:s12], [sflag:$0x4] =	stream.indirect.gather @!p1 [spmem:s2], $0x80, s5, s6, $0xb8;
	[tilespmem:$0x17B48] =	vst v63  }
0x56: {  	s6 =	sadd.s32 $0x3, s19;
	_ =	swait.ge [sflag:s26], $0x4000  }
0x57: {  	p1 =	sgt.u32 s6, $0x2C;
	[sflag:s26] =	ssyncset.done $0x0  }
0x58: {  	s12 =	sadd.s32 s21, s9;
	s5 =	simm.s32 @!p1 $0xA;
	[sflag:s26] =	ssyncadd.s32 $0xFFFFC000  }
0x59: {  	[hbm4b:s12+s3] =	stream.linear.scatter [tilespmem:s20], [sflag:$0x9], $0x4000, $0x38;
	[tilespmem:$0x17B48] =	vst v63  }
0x5a: {  	_ =	swait.ge @!p1 [sflag:s5], $0x4000  }
0x5b: {  	[sflag:s5] =	ssyncset.done @!p1 $0x0  }
0x5c: {  	[sflag:s5] =	ssyncadd.s32 @!p1 $0xFFFFC000;
	s5 =	sshra.s32 @!p1 s4, $0x2  }
0x5d: {  	s6 =	simm.s32 @!p1 $0x80;
	s12 =	simm.s32 @!p1 $0x11C00;
	s5 =	sadd.s32 @!p1 $0x200, s5  }
0x5e: {  	[tilespmem:s12], [sflag:$0x5] =	stream.indirect.gather @!p1 [spmem:s2], $0x80, s5, s6, $0xb8;
	[tilespmem:$0x17B48] =	vst v63  }
0x5f: {  	_ =	swait.ge [sflag:s28], $0x4000  }
0x60: {  	p1 =	seq.s32 s4, $0x5A00;
	[sflag:s28] =	ssyncset.done $0x0  }
.Ltmp2:
0x61: {  	s12 =	sadd.s32 s21, s8;
	[sflag:s28] =	ssyncadd.s32 $0xFFFFC000;
	(pc) =	sbr.rel @p1 .LBB2_4-.Ltmp2, $4  }
0x62: {  	[hbm4b:s12+s3] =	stream.linear.scatter [tilespmem:s22], [sflag:$0xA], $0x4000, $0x38;
	[tilespmem:$0x17B48] =	vst v63  }
0x63: {  	_ =	swait.ge [sflag:s29], $0x4000  }
0x64: {  	[sflag:s29] =	ssyncset.done $0x0  }
0x65: {  	[sflag:s29] =	ssyncadd.s32 $0xFFFFC000  }
.Ltmp3:
0x66: {  	(pc) =	sbr.rel .LBB2_2-.Ltmp3, $4  }
0x67: {  	_ = 	snop  }
0x68: {  	s5 =	sshra.s32 s4, $0x2;
	s4 =	sadd.s32 $0xA00, s4  }
0x69: {  	s21 =	sadd.s32 $0x50000, s21;
	s19 =	sadd.s32 $0x5, s19;
	s5 =	sadd.s32 $0x280, s5  }
0x6a: {  	[tilespmem:s15], [sflag:$0x1] =	stream.indirect.gather [spmem:s2], $0x80, s5, s14, $0xb8;
	[tilespmem:$0x17B48] =	vst v63  }
.LBB2_5:
0x6b: {  	_ =	sfence.sel $0x180000  }
0x6c: {  	[bflag:$0x0] =	sbarrier.arrive $0xFFFF  }
0x6d: {  	_ =	strace $0x90000047  }
0x6e: {  	[bflag:$0x2] =	sbarrier.arrive $0xFFFF  }
0x6f: {  	s0 =	rddreg [dreg:$0x3]  }
0x70: {  	s0 =	sadd.s32 @!p0 $0x100000, s0  }
0x71: {  	[sflag:s0] =	ssyncadd.tile.s32 @!p0 $0x1;
	_ =	shalt  }
.Lfunc_end2:
_tile_overlayer_lowered:
.L_overlay_start_2:
0x72: {  	(tag) =	ssettag $0x2  }
0x73: {  	s0 =	rddreg [dreg:$0x0];
	s2 =	stileid.u32  }
0x74: {  	s1 =	rddreg [dreg:$0x1];
	p0 =	sne.s32 s2, $0x0  }
0x75: {  	s3 =	rddreg [dreg:$0x2];
	[bflag:$0x3] =	sbarrier.arrive $0xFFFF;
	s2 =	simm.s32 @!p0 $0x1C0B  }
0x76: {  	[timem:s3], [sflag:s2] =	dma.local @!p0 [hbm:s0], s1  }
0x77: {  	s0 =	simm.s32 @!p0 $0xB  }
0x78: {  	_ =	swait.ge @!p0 [sflag:s0], s1  }
0x79: {  	s1 =	ssub.s32 @!p0 $0x0, s1;
	[sflag:s0] =	ssyncset.done @!p0 $0x0  }
0x7a: {  	[sflag:s0] =	ssyncadd.s32 @!p0 s1  }
0x7b: {  	[bflag:$0x3] =	sbarrier.arrive $0xFFFF  }
0x7c: {  	_ =	shalt  }

</sc_bundles>
